<compile_context>
chip_gen: v7x
topology: tpu7x:2x2x1
jax: 0.10.2.dev20260603
libtpu: 0.0.44.dev20260713+nightly
codegen_flags: <defaults>
</compile_context>

<pallas_src>
import functools

import jax
import jax.numpy as jnp
from jax import lax
from jax.experimental import pallas as pl
from jax.experimental.pallas import tpu as pltpu
from jax.experimental.pallas import tpu_sc as plsc

N_ROWS = 8192
D = 1024

SC_ROWS = 2048
NUM_CORES = 2
NUM_SUBCORES = 16
NW = NUM_CORES * NUM_SUBCORES
PER_W = SC_ROWS * D // NW
CHUNK = 16384
NCHUNK = PER_W // CHUNK
GROUPS = CHUNK // 16

TC_BLOCK = 1024
TC_BLOCK0 = SC_ROWS // TC_BLOCK
TC_STEPS = (N_ROWS - SC_ROWS) // TC_BLOCK


def _sc_partial_kernel(g1, g1h, g2, g2h, out, b1, b2, b3, b4):
    wid = lax.axis_index("s") * NUM_CORES + lax.axis_index("c")
    base = wid * PER_W

    def chunk_body(c, accs):
        off = base + c * CHUNK
        pltpu.sync_copy(g1.at[pl.ds(off, CHUNK)], b1)
        pltpu.sync_copy(g1h.at[pl.ds(off, CHUNK)], b2)
        pltpu.sync_copy(g2.at[pl.ds(off, CHUNK)], b3)
        pltpu.sync_copy(g2h.at[pl.ds(off, CHUNK)], b4)

        def grp(i, accs2):
            x1, x2 = accs2
            d1 = b1[pl.ds(i * 16, 16)] - b2[pl.ds(i * 16, 16)]
            d2 = b3[pl.ds(i * 16, 16)] - b4[pl.ds(i * 16, 16)]
            return (x1 + d1 * d1, x2 + d2 * d2)

        return lax.fori_loop(0, GROUPS, grp, accs)

    zero = jnp.zeros((16,), jnp.float32)
    a1, a2 = lax.fori_loop(0, NCHUNK, chunk_body, (zero, zero))
    b1[pl.ds(0, 16)] = a1 + a2
    pltpu.sync_copy(b1.at[pl.ds(0, 16)], out.at[pl.ds(wid * 16, 16)])


def _tc_sum_kernel(g1_ref, g2_ref, g1h_ref, g2h_ref, out_ref):
    i = pl.program_id(0)
    d1 = g1_ref[...] - g1h_ref[...]
    d2 = g2_ref[...] - g2h_ref[...]
    partial = jnp.sum(d1 * d1) + jnp.sum(d2 * d2)

    @pl.when(i == 0)
    def _init():
        out_ref[0] = 0.0

    out_ref[0] += partial


def kernel(x, target, g1, g2, g1_hat, g2_hat):
    g1f = g1.reshape(-1)
    g2f = g2.reshape(-1)
    g1hf = g1_hat.reshape(-1)
    g2hf = g2_hat.reshape(-1)

    sc_fn = functools.partial(
        pl.kernel,
        out_type=jax.ShapeDtypeStruct((NW * 16,), jnp.float32),
        mesh=plsc.VectorSubcoreMesh(core_axis_name="c", subcore_axis_name="s"),
        scratch_types=[
            pltpu.VMEM((CHUNK,), jnp.float32),
            pltpu.VMEM((CHUNK,), jnp.float32),
            pltpu.VMEM((CHUNK,), jnp.float32),
            pltpu.VMEM((CHUNK,), jnp.float32),
        ],
    )(_sc_partial_kernel)
    sc_partials = sc_fn(g1f, g1hf, g2f, g2hf)

    spec = pl.BlockSpec((TC_BLOCK, D), lambda i: (i + TC_BLOCK0, 0))
    tc_total = pl.pallas_call(
        _tc_sum_kernel,
        grid=(TC_STEPS,),
        in_specs=[spec, spec, spec, spec],
        out_specs=pl.BlockSpec(memory_space=pltpu.SMEM),
        out_shape=jax.ShapeDtypeStruct((1,), jnp.float32),
    )(g1, g2, g1_hat, g2_hat)

    total = tc_total[0] + jnp.sum(sc_partials)
    return total * jnp.float32(1.0 / (N_ROWS * D))

# --- scband reference (transcript-rebuilt; emitter-appended) ---
"""Pipeline reference for scband-label-smoothing-14396730376771 (READ-ONLY COPY).

The authoritative reference and input builder live on the scoring server;
editing this copy changes nothing except your own understanding.
"""

import jax, jax.numpy as jnp
import numpy as np

SIZE = 32000
PADDING_IDX = 0
SMOOTHING = 0.1
CONFIDENCE = 1.0 - SMOOTHING


def case1_loss1(g1, g2, g1_hat, g2_hat):
    # case1_loss.case1_loss1 is an external, undefined symbol in the original
    # source; we implement it as the canonical paired reconstruction MSE loss.
    return jnp.mean((g1 - g1_hat) ** 2) + jnp.mean((g2 - g2_hat) ** 2)


def setup_inputs(seed: int = 0) -> dict:
    key = jax.random.key(seed)
    k1, k2, k3, k4, k5, k6 = jax.random.split(key, 6)
    N = 8192
    x = jax.random.normal(k1, (N, SIZE), dtype=jnp.float32)
    target = jax.random.randint(k2, (N,), 0, SIZE, dtype=jnp.int64)
    g1 = jax.random.normal(k3, (N, 1024), dtype=jnp.float32)
    g2 = jax.random.normal(k4, (N, 1024), dtype=jnp.float32)
    g1_hat = jax.random.normal(k5, (N, 1024), dtype=jnp.float32)
    g2_hat = jax.random.normal(k6, (N, 1024), dtype=jnp.float32)
    return {"x": x, "target": target, "g1": g1, "g2": g2, "g1_hat": g1_hat, "g2_hat": g2_hat}


def reference(x, target, g1, g2, g1_hat, g2_hat):
    assert x.shape[1] == SIZE
    N = x.shape[0]
    # true_dist construction (faithful to torch: fill_, scatter_, index_fill_).
    # x.data.clone() detaches x, so true_dist carries no gradient to x.
    true_dist = jnp.full((N, SIZE), SMOOTHING / (SIZE - 2), dtype=x.dtype)
    rows = jnp.arange(N)
    true_dist = true_dist.at[rows, target].set(CONFIDENCE)
    true_dist = true_dist.at[:, PADDING_IDX].set(0.0)
    pad_mask = (target != PADDING_IDX).astype(x.dtype)
    true_dist = true_dist * pad_mask[:, None]
    # Original forward returns loss1 (true_dist is computed but unused in the output).
    loss1 = case1_loss1(g1, g2, g1_hat, g2_hat)
    # Keep true_dist live so the scatter is not dead-code eliminated; it is
    # multiplied by 0 so the value of loss1 is unchanged.
    loss1 = loss1 + 0.0 * jnp.sum(true_dist[:1, :1])
    return loss1

if __name__ == "__main__":
    import jax
    _d = setup_inputs()
    print(jax.jit(kernel)(*tuple(_d.values())))

</pallas_src>

<mosaic_0001>
#map = affine_map<(d0, d1) -> (0)>
module attributes {stable_mosaic.version = 14 : i64} {
  func.func @_sc_partial_kernel(%arg0: i32, %arg1: i32, %arg2: memref<8388608xf32, #tpu.memory_space<hbm>>, %arg3: memref<8388608xf32, #tpu.memory_space<hbm>>, %arg4: memref<8388608xf32, #tpu.memory_space<hbm>>, %arg5: memref<8388608xf32, #tpu.memory_space<hbm>>, %arg6: memref<512xf32, #tpu.memory_space<hbm>>, %arg7: memref<16384xf32, #tpu.memory_space<vmem>>, %arg8: memref<16384xf32, #tpu.memory_space<vmem>>, %arg9: memref<16384xf32, #tpu.memory_space<vmem>>, %arg10: memref<16384xf32, #tpu.memory_space<vmem>>) attributes {dimension_semantics = [#tpu.dimension_semantics<core_parallel>, #tpu.dimension_semantics<subcore_parallel>], iteration_bounds = array<i64: 2, 16>, scalar_prefetch = 0 : i64, scratch_operands = 4 : i64, tpu.core_type = #tpu.core_type<sc_vector_subcore>, window_params = [{transform_indices = #map}, {transform_indices = #map}, {transform_indices = #map}, {transform_indices = #map}, {transform_indices = #map}]} {
    %mul3A = arith.constant 2 : i32
    %mul3A_0 = arith.muli %arg1, %mul3A : i32
    %add3A = arith.addi %mul3A_0, %arg0 : i32
    %mul3A_1 = arith.constant 65536 : i32
    %mul3A_2 = arith.muli %add3A, %mul3A_1 : i32
    %broadcast_in_dim3A = arith.constant 0.000000e+00 : f32
    %broadcast_in_dim3A_3 = vector.broadcast %broadcast_in_dim3A : f32 to vector<16xf32>
    %scan3A = arith.constant 0 : i32
    %scan3A_4 = arith.constant 4 : i32
    %scan3A_5 = arith.addi %scan3A, %scan3A_4 : i32
    %scan3A_6 = arith.constant 1 : i32
    %scan3A_7:2 = scf.for %scan3A_15 = %scan3A to %scan3A_5 step %scan3A_6 iter_args(%scan3A_16 = %broadcast_in_dim3A_3, %scan3A_17 = %broadcast_in_dim3A_3) -> (vector<16xf32>, vector<16xf32>)  : i32 {
      %mul3A_18 = arith.constant 16384 : i32
      %mul3A_19 = arith.muli %scan3A_15, %mul3A_18 : i32
      %add3A_20 = arith.addi %mul3A_2, %mul3A_19 : i32
      "tpu.region"() ({
        %run_scoped3A = tpu.sem_alloc : memref<!tpu.dma_semaphore, #tpu.memory_space<semaphore_mem>>
        %dma_start3A = tpu.memref_slice %arg2[%add3A_20] : memref<8388608xf32, #tpu.memory_space<hbm>> -> memref<16384xf32, #tpu.memory_space<hbm>>
        %dma_start3A_27 = tpu.memref_slice %arg2[%add3A_20] : memref<8388608xf32, #tpu.memory_space<hbm>> -> memref<16384xf32, #tpu.memory_space<hbm>>
        tpu.enqueue_dma source(%dma_start3A_27 : memref<16384xf32, #tpu.memory_space<hbm>>) target(%arg7 : memref<16384xf32, #tpu.memory_space<vmem>>) target_semaphore(%run_scoped3A : memref<!tpu.dma_semaphore, #tpu.memory_space<semaphore_mem>>)
        %dma_wait3A = tpu.memref_slice %arg2[%add3A_20] : memref<8388608xf32, #tpu.memory_space<hbm>> -> memref<16384xf32, #tpu.memory_space<hbm>>
        %dma_wait3A_28 = tpu.memref_slice %arg2[%add3A_20] : memref<8388608xf32, #tpu.memory_space<hbm>> -> memref<16384xf32, #tpu.memory_space<hbm>>
        tpu.wait_dma2 semaphore(%run_scoped3A : memref<!tpu.dma_semaphore, #tpu.memory_space<semaphore_mem>>) src(%dma_wait3A_28 : memref<16384xf32, #tpu.memory_space<hbm>>) dst(%arg7 : memref<16384xf32, #tpu.memory_space<vmem>>)
        tpu.yield
      }) : () -> ()
      "tpu.region"() ({
        %run_scoped3A = tpu.sem_alloc : memref<!tpu.dma_semaphore, #tpu.memory_space<semaphore_mem>>
        %dma_start3A = tpu.memref_slice %arg3[%add3A_20] : memref<8388608xf32, #tpu.memory_space<hbm>> -> memref<16384xf32, #tpu.memory_space<hbm>>
        %dma_start3A_27 = tpu.memref_slice %arg3[%add3A_20] : memref<8388608xf32, #tpu.memory_space<hbm>> -> memref<16384xf32, #tpu.memory_space<hbm>>
        tpu.enqueue_dma source(%dma_start3A_27 : memref<16384xf32, #tpu.memory_space<hbm>>) target(%arg8 : memref<16384xf32, #tpu.memory_space<vmem>>) target_semaphore(%run_scoped3A : memref<!tpu.dma_semaphore, #tpu.memory_space<semaphore_mem>>)
        %dma_wait3A = tpu.memref_slice %arg3[%add3A_20] : memref<8388608xf32, #tpu.memory_space<hbm>> -> memref<16384xf32, #tpu.memory_space<hbm>>
        %dma_wait3A_28 = tpu.memref_slice %arg3[%add3A_20] : memref<8388608xf32, #tpu.memory_space<hbm>> -> memref<16384xf32, #tpu.memory_space<hbm>>
        tpu.wait_dma2 semaphore(%run_scoped3A : memref<!tpu.dma_semaphore, #tpu.memory_space<semaphore_mem>>) src(%dma_wait3A_28 : memref<16384xf32, #tpu.memory_space<hbm>>) dst(%arg8 : memref<16384xf32, #tpu.memory_space<vmem>>)
        tpu.yield
      }) : () -> ()
      "tpu.region"() ({
        %run_scoped3A = tpu.sem_alloc : memref<!tpu.dma_semaphore, #tpu.memory_space<semaphore_mem>>
        %dma_start3A = tpu.memref_slice %arg4[%add3A_20] : memref<8388608xf32, #tpu.memory_space<hbm>> -> memref<16384xf32, #tpu.memory_space<hbm>>
        %dma_start3A_27 = tpu.memref_slice %arg4[%add3A_20] : memref<8388608xf32, #tpu.memory_space<hbm>> -> memref<16384xf32, #tpu.memory_space<hbm>>
        tpu.enqueue_dma source(%dma_start3A_27 : memref<16384xf32, #tpu.memory_space<hbm>>) target(%arg9 : memref<16384xf32, #tpu.memory_space<vmem>>) target_semaphore(%run_scoped3A : memref<!tpu.dma_semaphore, #tpu.memory_space<semaphore_mem>>)
        %dma_wait3A = tpu.memref_slice %arg4[%add3A_20] : memref<8388608xf32, #tpu.memory_space<hbm>> -> memref<16384xf32, #tpu.memory_space<hbm>>
        %dma_wait3A_28 = tpu.memref_slice %arg4[%add3A_20] : memref<8388608xf32, #tpu.memory_space<hbm>> -> memref<16384xf32, #tpu.memory_space<hbm>>
        tpu.wait_dma2 semaphore(%run_scoped3A : memref<!tpu.dma_semaphore, #tpu.memory_space<semaphore_mem>>) src(%dma_wait3A_28 : memref<16384xf32, #tpu.memory_space<hbm>>) dst(%arg9 : memref<16384xf32, #tpu.memory_space<vmem>>)
        tpu.yield
      }) : () -> ()
      "tpu.region"() ({
        %run_scoped3A = tpu.sem_alloc : memref<!tpu.dma_semaphore, #tpu.memory_space<semaphore_mem>>
        %dma_start3A = tpu.memref_slice %arg5[%add3A_20] : memref<8388608xf32, #tpu.memory_space<hbm>> -> memref<16384xf32, #tpu.memory_space<hbm>>
        %dma_start3A_27 = tpu.memref_slice %arg5[%add3A_20] : memref<8388608xf32, #tpu.memory_space<hbm>> -> memref<16384xf32, #tpu.memory_space<hbm>>
        tpu.enqueue_dma source(%dma_start3A_27 : memref<16384xf32, #tpu.memory_space<hbm>>) target(%arg10 : memref<16384xf32, #tpu.memory_space<vmem>>) target_semaphore(%run_scoped3A : memref<!tpu.dma_semaphore, #tpu.memory_space<semaphore_mem>>)
        %dma_wait3A = tpu.memref_slice %arg5[%add3A_20] : memref<8388608xf32, #tpu.memory_space<hbm>> -> memref<16384xf32, #tpu.memory_space<hbm>>
        %dma_wait3A_28 = tpu.memref_slice %arg5[%add3A_20] : memref<8388608xf32, #tpu.memory_space<hbm>> -> memref<16384xf32, #tpu.memory_space<hbm>>
        tpu.wait_dma2 semaphore(%run_scoped3A : memref<!tpu.dma_semaphore, #tpu.memory_space<semaphore_mem>>) src(%dma_wait3A_28 : memref<16384xf32, #tpu.memory_space<hbm>>) dst(%arg10 : memref<16384xf32, #tpu.memory_space<vmem>>)
        tpu.yield
      }) : () -> ()
      %scan3A_21 = arith.constant 0 : i32
      %scan3A_22 = arith.constant 1024 : i32
      %scan3A_23 = arith.addi %scan3A_21, %scan3A_22 : i32
      %scan3A_24 = arith.constant 1 : i32
      %scan3A_25:2 = scf.for %scan3A_27 = %scan3A_21 to %scan3A_23 step %scan3A_24 iter_args(%scan3A_28 = %scan3A_16, %scan3A_29 = %scan3A_17) -> (vector<16xf32>, vector<16xf32>)  : i32 {
        %mul3A_30 = arith.constant 16 : i32
        %mul3A_31 = arith.muli %scan3A_27, %mul3A_30 : i32
        %get3A = arith.index_cast %mul3A_31 : i32 to index
        %get3A_32 = tpu.vector_load %arg7[%get3A] {strides = array<i32>} : memref<16384xf32, #tpu.memory_space<vmem>>, vector<16xf32>,
        %get3A_33 = vector.shape_cast %get3A_32 : vector<16xf32> to vector<16xf32>
        %mul3A_34 = arith.constant 16 : i32
        %mul3A_35 = arith.muli %scan3A_27, %mul3A_34 : i32
        %get3A_36 = arith.index_cast %mul3A_35 : i32 to index
        %get3A_37 = tpu.vector_load %arg8[%get3A_36] {strides = array<i32>} : memref<16384xf32, #tpu.memory_space<vmem>>, vector<16xf32>,
        %get3A_38 = vector.shape_cast %get3A_37 : vector<16xf32> to vector<16xf32>
        %sub3A = arith.subf %get3A_33, %get3A_38 : vector<16xf32>
        %mul3A_39 = arith.constant 16 : i32
        %mul3A_40 = arith.muli %scan3A_27, %mul3A_39 : i32
        %get3A_41 = arith.index_cast %mul3A_40 : i32 to index
        %get3A_42 = tpu.vector_load %arg9[%get3A_41] {strides = array<i32>} : memref<16384xf32, #tpu.memory_space<vmem>>, vector<16xf32>,
        %get3A_43 = vector.shape_cast %get3A_42 : vector<16xf32> to vector<16xf32>
        %mul3A_44 = arith.constant 16 : i32
        %mul3A_45 = arith.muli %scan3A_27, %mul3A_44 : i32
        %get3A_46 = arith.index_cast %mul3A_45 : i32 to index
        %get3A_47 = tpu.vector_load %arg10[%get3A_46] {strides = array<i32>} : memref<16384xf32, #tpu.memory_space<vmem>>, vector<16xf32>,
        %get3A_48 = vector.shape_cast %get3A_47 : vector<16xf32> to vector<16xf32>
        %sub3A_49 = arith.subf %get3A_43, %get3A_48 : vector<16xf32>
        %mul3A_50 = arith.mulf %sub3A, %sub3A : vector<16xf32>
        %add3A_51 = arith.addf %scan3A_28, %mul3A_50 : vector<16xf32>
        %mul3A_52 = arith.mulf %sub3A_49, %sub3A_49 : vector<16xf32>
        %add3A_53 = arith.addf %scan3A_29, %mul3A_52 : vector<16xf32>
        scf.yield %add3A_51, %add3A_53 : vector<16xf32>, vector<16xf32>
      }
      %scan3A_26 = arith.constant 1024 : i32
      scf.yield %scan3A_25#0, %scan3A_25#1 : vector<16xf32>, vector<16xf32>
    }
    %scan3A_8 = arith.constant 4 : i32
    %add3A_9 = arith.addf %scan3A_7#0, %scan3A_7#1 : vector<16xf32>
    %swap3A = arith.constant 0 : index
    %swap3A_10 = tpu.vector_load %arg7[%swap3A] {strides = array<i32>} : memref<16384xf32, #tpu.memory_space<vmem>>, vector<16xf32>,
    %swap3A_11 = vector.shape_cast %swap3A_10 : vector<16xf32> to vector<16xf32>
    %swap3A_12 = vector.shape_cast %add3A_9 : vector<16xf32> to vector<16xf32>
    tpu.vector_store %arg7[%swap3A], %swap3A_12 {strides = array<i32>} : memref<16384xf32, #tpu.memory_space<vmem>>, vector<16xf32>,
    %mul3A_13 = arith.constant 16 : i32
    %mul3A_14 = arith.muli %add3A, %mul3A_13 : i32
    "tpu.region"() ({
      %run_scoped3A = tpu.sem_alloc : memref<!tpu.dma_semaphore, #tpu.memory_space<semaphore_mem>>
      %dma_start3A = arith.constant 0 : i32
      %dma_start3A_15 = tpu.memref_slice %arg7[%dma_start3A] : memref<16384xf32, #tpu.memory_space<vmem>> -> memref<16xf32, #tpu.memory_space<vmem>>
      %dma_start3A_16 = tpu.memref_slice %arg6[%mul3A_14] : memref<512xf32, #tpu.memory_space<hbm>> -> memref<16xf32, #tpu.memory_space<hbm>>
      %dma_start3A_17 = tpu.memref_slice %arg6[%mul3A_14] : memref<512xf32, #tpu.memory_space<hbm>> -> memref<16xf32, #tpu.memory_space<hbm>>
      %dma_start3A_18 = arith.constant 0 : i32
      %dma_start3A_19 = tpu.memref_slice %arg7[%dma_start3A_18] : memref<16384xf32, #tpu.memory_space<vmem>> -> memref<16xf32, #tpu.memory_space<vmem>>
      tpu.enqueue_dma source(%dma_start3A_19 : memref<16xf32, #tpu.memory_space<vmem>>) target(%dma_start3A_17 : memref<16xf32, #tpu.memory_space<hbm>>) target_semaphore(%run_scoped3A : memref<!tpu.dma_semaphore, #tpu.memory_space<semaphore_mem>>)
      %dma_wait3A = arith.constant 0 : i32
      %dma_wait3A_20 = tpu.memref_slice %arg7[%dma_wait3A] : memref<16384xf32, #tpu.memory_space<vmem>> -> memref<16xf32, #tpu.memory_space<vmem>>
      %dma_wait3A_21 = tpu.memref_slice %arg6[%mul3A_14] : memref<512xf32, #tpu.memory_space<hbm>> -> memref<16xf32, #tpu.memory_space<hbm>>
      %dma_wait3A_22 = tpu.memref_slice %arg6[%mul3A_14] : memref<512xf32, #tpu.memory_space<hbm>> -> memref<16xf32, #tpu.memory_space<hbm>>
      %dma_wait3A_23 = arith.constant 0 : i32
      %dma_wait3A_24 = tpu.memref_slice %arg7[%dma_wait3A_23] : memref<16384xf32, #tpu.memory_space<vmem>> -> memref<16xf32, #tpu.memory_space<vmem>>
      tpu.wait_dma2 semaphore(%run_scoped3A : memref<!tpu.dma_semaphore, #tpu.memory_space<semaphore_mem>>) src(%dma_wait3A_24 : memref<16xf32, #tpu.memory_space<vmem>>) dst(%dma_wait3A_22 : memref<16xf32, #tpu.memory_space<hbm>>)
      tpu.yield
    }) : () -> ()
    return
  }
}

module attributes {stable_mosaic.version = 14 : i64} {
  func.func @_tc_sum_kernel(%arg0: i32, %arg1: memref<1024x1024xf32, #tpu.memory_space<vmem>>, %arg2: memref<1024x1024xf32, #tpu.memory_space<vmem>>, %arg3: memref<1024x1024xf32, #tpu.memory_space<vmem>>, %arg4: memref<1024x1024xf32, #tpu.memory_space<vmem>>, %arg5: memref<1xf32, #tpu.memory_space<smem>>) attributes {dimension_semantics = [#tpu.dimension_semantics<arbitrary>], iteration_bounds = array<i64: 6>, scalar_prefetch = 0 : i64, scratch_operands = 0 : i64, tpu.core_type = #tpu.core_type<tc>, window_params = [{transform_indices = @transform_0, window_bounds = array<i64: 1024, 1024>}, {transform_indices = @transform_1, window_bounds = array<i64: 1024, 1024>}, {transform_indices = @transform_2, window_bounds = array<i64: 1024, 1024>}, {transform_indices = @transform_3, window_bounds = array<i64: 1024, 1024>}, {transform_indices = @transform_4, window_bounds = array<i64: 1>}]} {
    %get3A = arith.constant 0 : index
    %get3A_0 = arith.constant 0 : index
    %get3A_1 = vector.load %arg1[%get3A, %get3A_0] : memref<1024x1024xf32, #tpu.memory_space<vmem>>, vector<1024x1024xf32>
    %get3A_2 = arith.constant 0 : index
    %get3A_3 = arith.constant 0 : index
    %get3A_4 = vector.load %arg3[%get3A_2, %get3A_3] : memref<1024x1024xf32, #tpu.memory_space<vmem>>, vector<1024x1024xf32>
    %sub3A = arith.subf %get3A_1, %get3A_4 : vector<1024x1024xf32>
    %get3A_5 = arith.constant 0 : index
    %get3A_6 = arith.constant 0 : index
    %get3A_7 = vector.load %arg2[%get3A_5, %get3A_6] : memref<1024x1024xf32, #tpu.memory_space<vmem>>, vector<1024x1024xf32>
    %get3A_8 = arith.constant 0 : index
    %get3A_9 = arith.constant 0 : index
    %get3A_10 = vector.load %arg4[%get3A_8, %get3A_9] : memref<1024x1024xf32, #tpu.memory_space<vmem>>, vector<1024x1024xf32>
    %sub3A_11 = arith.subf %get3A_7, %get3A_10 : vector<1024x1024xf32>
    %mul3A = arith.mulf %sub3A, %sub3A : vector<1024x1024xf32>
    %reduce_sum3A = vector.shape_cast %mul3A : vector<1024x1024xf32> to vector<1x1024x1024xf32>
    %reduce_sum3A_12 = arith.constant dense<0.000000e+00> : vector<1xf32>
    %reduce_sum3A_13 = vector.multi_reduction <add>, %reduce_sum3A, %reduce_sum3A_12 [1, 2] : vector<1x1024x1024xf32> to vector<1xf32>
    %reduce_sum3A_14 = vector.shape_cast %reduce_sum3A_13 : vector<1xf32> to vector<1x1x1xf32>
    %reduce_sum3A_15 = vector.extract %reduce_sum3A_14[0, 0, 0] : f32 from vector<1x1x1xf32>
    %mul3A_16 = arith.mulf %sub3A_11, %sub3A_11 : vector<1024x1024xf32>
    %reduce_sum3A_17 = vector.shape_cast %mul3A_16 : vector<1024x1024xf32> to vector<1x1024x1024xf32>
    %reduce_sum3A_18 = arith.constant dense<0.000000e+00> : vector<1xf32>
    %reduce_sum3A_19 = vector.multi_reduction <add>, %reduce_sum3A_17, %reduce_sum3A_18 [1, 2] : vector<1x1024x1024xf32> to vector<1xf32>
    %reduce_sum3A_20 = vector.shape_cast %reduce_sum3A_19 : vector<1xf32> to vector<1x1x1xf32>
    %reduce_sum3A_21 = vector.extract %reduce_sum3A_20[0, 0, 0] : f32 from vector<1x1x1xf32>
    %add3A = arith.addf %reduce_sum3A_15, %reduce_sum3A_21 : f32
    %eq3A = arith.constant 0 : i32
    %eq3A_22 = arith.cmpi eq, %arg0, %eq3A : i32
    %convert_element_type3A = arith.extui %eq3A_22 : i1 to i32
    %cond3A = arith.constant 0 : i32
    %cond3A_23 = arith.cmpi ne, %convert_element_type3A, %cond3A : i32
    scf.if %cond3A_23 {
      %swap3A_28 = arith.constant 0.000000e+00 : f32
      %swap3A_29 = arith.constant 0 : index
      %swap3A_30 = memref.load %arg5[%swap3A_29] : memref<1xf32, #tpu.memory_space<smem>>
      memref.store %swap3A_28, %arg5[%swap3A_29] : memref<1xf32, #tpu.memory_space<smem>>
    } else {
    }
    %get3A_24 = arith.constant 0 : index
    %get3A_25 = memref.load %arg5[%get3A_24] : memref<1xf32, #tpu.memory_space<smem>>
    %add3A_26 = arith.addf %get3A_25, %add3A : f32
    %swap3A = arith.constant 0 : index
    %swap3A_27 = memref.load %arg5[%swap3A] : memref<1xf32, #tpu.memory_space<smem>>
    memref.store %add3A_26, %arg5[%swap3A] : memref<1xf32, #tpu.memory_space<smem>>
    return
  }
  func.func @transform_0(%arg0: i32) -> (i32, i32) {
    %add3A = arith.constant 2 : i32
    %add3A_0 = arith.addi %arg0, %add3A : i32
    %c0_i32 = arith.constant 0 : i32
    %c0_i32_1 = arith.constant 0 : i32
    return %add3A_0, %c0_i32 : i32, i32
  }
  func.func @transform_1(%arg0: i32) -> (i32, i32) {
    %add3A = arith.constant 2 : i32
    %add3A_0 = arith.addi %arg0, %add3A : i32
    %c0_i32 = arith.constant 0 : i32
    %c0_i32_1 = arith.constant 0 : i32
    return %add3A_0, %c0_i32 : i32, i32
  }
  func.func @transform_2(%arg0: i32) -> (i32, i32) {
    %add3A = arith.constant 2 : i32
    %add3A_0 = arith.addi %arg0, %add3A : i32
    %c0_i32 = arith.constant 0 : i32
    %c0_i32_1 = arith.constant 0 : i32
    return %add3A_0, %c0_i32 : i32, i32
  }
  func.func @transform_3(%arg0: i32) -> (i32, i32) {
    %add3A = arith.constant 2 : i32
    %add3A_0 = arith.addi %arg0, %add3A : i32
    %c0_i32 = arith.constant 0 : i32
    %c0_i32_1 = arith.constant 0 : i32
    return %add3A_0, %c0_i32 : i32, i32
  }
  func.func @transform_4(%arg0: i32) -> i32 {
    %c0_i32 = arith.constant 0 : i32
    %c0_i32_0 = arith.constant 0 : i32
    return %c0_i32 : i32
  }
}

</mosaic_0001>

<sc_bundles>
// kernel: kernel.4.cloned.1.call-start
scs
__scs_entry_jumppad:
0x0: {  	(pc) =	sbr.rel $0x88, $3  }
0x1: {  	(tag) =	ssettag $0x0;
	lr =	simm.s32 $0x1  }
0x2: {  	[smem:$0x3F9D] =	sst lr;
	_ =	strace $0xD0000000  }
0x3: {  	_ = 	snop  }
0x4: {  	_ = 	snop  }
0x5: {  	_ = 	snop  }
0x6: {  	_ = 	snop  }
0x7: {  	_ = 	snop  }
__scs_overlays_trampoline_lowered:
0x8: {  	[smem:$0x3FAC] =	sst s0  }
0x9: {  	[smem:$0x3FAD] =	sst s1  }
0xa: {  	[smem:$0x3FAE] =	sst s2  }
0xb: {  	[smem:$0x3FAF] =	sst s3  }
0xc: {  	[smem:$0x3FB0] =	sst s4  }
0xd: {  	[smem:$0x3FB1] =	sst s5  }
0xe: {  	[smem:$0x3FB2] =	sst s6  }
0xf: {  	[smem:$0x3FB3] =	sst s7  }
0x10: {  	[smem:$0x3FB4] =	sst s8  }
0x11: {  	[smem:$0x3FB5] =	sst s9;
	s0 =	simm.s32 @!p0 $0x0  }
0x12: {  	s1 =	sld [smem:$0x3F9B];
	s0 =	simm.s32 @p0 $0x1  }
0x13: {  	[smem:$0x3FB6] =	sst s0;
	s0 =	simm.s32 @!p1 $0x0  }
0x14: {  	s2 =	sld [smem:$0x3F9A];
	s0 =	simm.s32 @p1 $0x1  }
0x15: {  	[smem:$0x3FB7] =	sst s0;
	s0 =	simm.s32 @!p2 $0x0  }
0x16: {  	s3 =	sld [smem:$0x3FDB];
	s0 =	simm.s32 @p2 $0x1  }
0x17: {  	s4 =	simm.s32 $0x1BF5;
	[smem:$0x3FB9] =	sst s0  }
0x18: {  	s0 =	sld [smem:$0x3F9C];
	_ =	swait.ge [sflag:s4], $0x0  }
0x19: {  	s7 =	sld [smem:$0x3F9D]  }
0x1a: {  	s8 =	sadd.s32 $0xFFFFE003, lr  }
0x1b: {  	s9 =	sadd.s32 $0xFFFFFEF7, lr;
	s5 =	simm.s32 $0xFFFFFFFF;
	p2 =	slt.u32 s8, $0xFFFFF086  }
0x1c: {  	p1 =	slt.u32 s9, $0xF7A;
	s5 =	simm.s32 @!p2 $0x0  }
0x1d: {  	s5 =	simm.s32 @p1 $0x1;
	p0 =	seq.s32 s7, s2  }
0x1e: {  	s7 =	smul.u32 @!p0 $0xF7A, s2;
	p2 =	seq.s32 @!p0 s5, $0x0  }
0x1f: {  	s9 =	smul.u32 $0xF7A, s1;
	s8 =	simm.s32 @!p0 $0x1BF5;
	p2 =	por !p2, p0  }
0x20: {  	[sflag:s8] =	ssyncset.s32 @!p0 $0xFFFFF086;
	s6 =	sadd.s32 @!p0 s3, s7;
	s7 =	simm.s32 @!p0 $0x108  }
0x21: {  	s3 =	sadd.s32 s3, s9;
	s6 =	sadd.s32 @!p0 $0x88, s6;
	s7 =	simm.s32 @p2 $0x1082  }
0x22: {  	[simem:s7], [sflag:s8] =	dma.local @!p0 [hbm:s6], $0xF7A  }
0x23: {  	s9 =	sor.u32 $0xD0000000, s2;
	s6 =	simm.s32 $0x108;
	_ =	swait.ge @!p0 [sflag:s8], $0x0  }
0x24: {  	s3 =	sadd.s32 $0x88, s3;
	s6 =	simm.s32 @!p1 $0x1082;
	[sflag:s4] =	ssyncset.s32 $0xFFFFF086  }
0x25: {  	[simem:s6], [sflag:s4] =	dma.local [hbm:s3], $0xF7A  }
0x26: {  	[smem:$0x3F9D] =	sst s1;
	(tag) =	ssettag s2;
	_ =	strace s9  }
0x27: {  	s1 =	sld [smem:$0x3FAD]  }
0x28: {  	s2 =	sld [smem:$0x3FAE]  }
0x29: {  	s4 =	sld [smem:$0x3FB0]  }
0x2a: {  	p0 =	seq.s32 s5, $0x0;
	s5 =	sld [smem:$0x3FB1]  }
0x2b: {  	s6 =	sld [smem:$0x3FB2]  }
0x2c: {  	s7 =	sld [smem:$0x3FB3]  }
0x2d: {  	s3 =	simm.s32 $0x108;
	s8 =	sld [smem:$0x3FB4]  }
0x2e: {  	s3 =	simm.s32 @!p0 $0x1082;
	s9 =	sld [smem:$0x3FB5]  }
0x2f: {  	lr =	sadd.s32 s0, s3;
	s0 =	sld [smem:$0x3FAC]  }
0x30: {  	s3 =	sld [smem:$0x3FAF]  }
0x31: {  	[smem:$0x3FB8] =	sst s10  }
0x32: {  	s10 =	sld [smem:$0x3FB6];
	_ =	sdelay $0x3  }
0x33: {  	p0 =	seq.s32 s10, $0x1;
	s10 =	sld [smem:$0x3FB8];
	_ =	sdelay $0x3  }
0x34: {  	[smem:$0x3FB8] =	sst s10  }
0x35: {  	s10 =	sld [smem:$0x3FB7];
	_ =	sdelay $0x3  }
0x36: {  	p1 =	seq.s32 s10, $0x1;
	s10 =	sld [smem:$0x3FB8];
	_ =	sdelay $0x3  }
0x37: {  	[smem:$0x3FB8] =	sst s10  }
0x38: {  	s10 =	sld [smem:$0x3FB9]  }
0x39: {  	_ = 	snop;
	(pc) =	sbr.ind lr, $3  }
0x3a: {  	_ = 	snop  }
0x3b: {  	_ = 	snop  }
0x3c: {  	p2 =	seq.s32 s10, $0x1;
	s10 =	sld [smem:$0x3FB8]  }
0x3d: {  	_ =	shalt  }
0x3e: {  	_ =	shalt  }
0x3f: {  	_ =	shalt  }
0x40: {  	_ =	shalt  }
0x41: {  	_ =	shalt  }
0x42: {  	_ =	shalt  }
0x43: {  	_ =	shalt  }
0x44: {  	_ =	shalt  }
0x45: {  	_ =	shalt  }
0x46: {  	_ =	shalt  }
0x47: {  	_ =	shalt  }
0x48: {  	_ =	shalt  }
0x49: {  	_ =	shalt  }
0x4a: {  	_ =	shalt  }
0x4b: {  	_ =	shalt  }
0x4c: {  	_ =	shalt  }
0x4d: {  	_ =	shalt  }
0x4e: {  	_ =	shalt  }
0x4f: {  	_ =	shalt  }
0x50: {  	_ =	shalt  }
0x51: {  	_ =	shalt  }
0x52: {  	_ =	shalt  }
0x53: {  	_ =	shalt  }
0x54: {  	_ =	shalt  }
0x55: {  	_ =	shalt  }
0x56: {  	_ =	shalt  }
0x57: {  	_ =	shalt  }
0x58: {  	_ =	shalt  }
0x59: {  	_ =	shalt  }
0x5a: {  	_ =	shalt  }
0x5b: {  	_ =	shalt  }
0x5c: {  	_ =	shalt  }
0x5d: {  	_ =	shalt  }
0x5e: {  	_ =	shalt  }
0x5f: {  	_ =	shalt  }
0x60: {  	_ =	shalt  }
0x61: {  	_ =	shalt  }
0x62: {  	_ =	shalt  }
0x63: {  	_ =	shalt  }
0x64: {  	_ =	shalt  }
0x65: {  	_ =	shalt  }
0x66: {  	_ =	shalt  }
0x67: {  	_ =	shalt  }
0x68: {  	_ =	shalt  }
0x69: {  	_ =	shalt  }
0x6a: {  	_ =	shalt  }
0x6b: {  	_ =	shalt  }
0x6c: {  	_ =	shalt  }
0x6d: {  	_ =	shalt  }
0x6e: {  	_ =	shalt  }
0x6f: {  	_ =	shalt  }
0x70: {  	_ =	shalt  }
0x71: {  	_ =	shalt  }
0x72: {  	_ =	shalt  }
0x73: {  	_ =	shalt  }
0x74: {  	_ =	shalt  }
0x75: {  	_ =	shalt  }
0x76: {  	_ =	shalt  }
0x77: {  	_ =	shalt  }
0x78: {  	_ =	shalt  }
0x79: {  	_ =	shalt  }
0x7a: {  	_ =	shalt  }
0x7b: {  	_ =	shalt  }
0x7c: {  	_ =	shalt  }
0x7d: {  	_ =	shalt  }
0x7e: {  	_ =	shalt  }
0x7f: {  	_ =	shalt  }
0x80: {  	_ =	shalt  }
0x81: {  	_ =	shalt  }
0x82: {  	_ =	shalt  }
0x83: {  	_ =	shalt  }
0x84: {  	_ =	shalt  }
0x85: {  	_ =	shalt  }
0x86: {  	_ =	shalt  }
0x87: {  	_ =	shalt  }
.Lfunc_end0:
.L_simem_size_0:
called_computation.4_lowered:
.L_overlay_start_0:
0x88: {  	s2 =	sld [smem:$0x3FD9]  }
0x89: {  	s3 =	sld [smem:$0x3FFE];
	_ =	sdelay $0x1  }
0x8a: {  	s1 =	srdreg.scid  }
0x8b: {  	s0 =	sand.u32 $0x1, s1  }
0x8c: {  	s16 =	sshll.u32 s0, $0xA;
	s2 =	sadd.s32 s3, s2  }
0x8d: {  	s2 =	sadd.s32 s2, s16  }
0x8e: {  	[smem:$0x3FC4] =	sst s2  }
0x8f: {  	_ = 	snop  }
0x90: {  	(tm) =	ssettm $0x1  }
0x91: {  	s17 =	sld [smem:$0x3FFB];
	_ =	sdelay $0x3  }
0x92: {  	_ =	strace s17  }
0x93: {  	s2 =	sld [smem:$0x3FFC];
	_ =	sdelay $0x3  }
0x94: {  	_ =	strace s2  }
0x95: {  	s2 =	sld [smem:$0x3FFD];
	_ =	sdelay $0x3  }
0x96: {  	_ =	strace s2  }
0x97: {  	_ =	strace $0x8FFFFFFF  }
0x98: {  	s18 =	sld [smem:$0x3FDB];
	_ =	sdelay $0x1  }
0x99: {  	s19 =	simm.s32 $_scs_section_size  }
0x9a: {  	s4 =	simm.s32 $_size__tile_overlayer_lowered;
	s5 =	simm.s32 $_tile_overlayer_lowered  }
0x9b: {  	s22 =	simm.s32 $0x1BFF;
	s21 =	sshll.u32 s5, $0x1;
	s2 =	sadd.s32 s19, s18  }
0x9c: {  	s6 =	simm.s32 $0x0;
	s20 =	sshll.u32 s4, $0x1;
	s4 =	sadd.s32 s21, s2  }
0x9d: {  	[timem:s6], [sflag:s22] =	dma.local [hbm:s4], s20  }
0x9e: {  	_ =	swait.ge [sflag:s22], s20  }
0x9f: {  	s3 =	ssub.s32 $0x0, s20;
	[sflag:s22] =	ssyncset.done $0x0  }
0xa0: {  	[sflag:s22] =	ssyncadd.s32 s3;
	_ =	sdelay $0x1  }
0xa1: {  	s23 =	simm.s32 $0x1B8B  }
0xa2: {  	_ =	swait.ge [sflag:s23], $0x1  }
0xa3: {  	[sflag:s23] =	ssyncset.done $0x0  }
0xa4: {  	s25 =	simm.s32 $0x1B8E;
	s24 =	sld [smem:$0x3FFE];
	[sflag:s23] =	ssyncadd.s32 $0xFFFFFFFF  }
0xa5: {  	s26 =	simm.s32 $execute0_lowered;
	[smem:$0x3FD2] =	sst s25  }
0xa6: {  	s4 =	sshll.u32 s26, $0x1;
	_ =	strace $0x80000052;
	[dreg:$0x1] =	wrdreg $0xFFFFFFFF  }
0xa7: {  	s28 =	simm.s32 $_size_execute0_lowered;
	s2 =	sadd.s32 s2, s4;
	[dreg:$0x0] =	wrdreg $0x0  }
0xa8: {  	s4 =	sshll.u32 s28, $0x1;
	[dreg:$0x2] =	wrdreg s2  }
0xa9: {  	[dreg:$0x3] =	wrdreg s4  }
0xaa: {  	[dreg:$0x4] =	wrdreg $0xC0  }
0xab: {  	_ =	task [dreg:s6], $0x5FFFF  }
0xac: {  	[dreg:$0x1] =	wrdreg $0xFFFFFFFF  }
0xad: {  	[dreg:$0x0] =	wrdreg $0x60  }
0xae: {  	[dreg:$0x2] =	wrdreg s24  }
0xaf: {  	[dreg:$0x3] =	wrdreg $0x9  }
0xb0: {  	_ =	task.clear_ibuf [dreg:s6], $0x4FFFF;
	_ =	strace $0x90000052  }
0xb1: {  	s29 =	simm.s32 $0x9;
	_ =	strace $0x80000054  }
0xb2: {  	_ =	swait.ge [sflag:s29], $0x1  }
0xb3: {  	[sflag:s29] =	ssyncadd.s32 $0xFFFFFFFF  }
0xb4: {  	_ =	strace $0x90000054  }
0xb5: {  	_ =	sfence  }
0xb6: {  	s30 =	sld [smem:$0x0];
	_ =	sdelay $0x2  }
0xb7: {  	s31 =	sshll.u32 s1, $0xD;
	s1 =	sshrl.u32 s1, $0x2  }
0xb8: {  	s3 =	sand.u32 $0x4000, s31;
	s1 =	sadd.s32 s1, s30  }
0xb9: {  	s0 =	sor.u32 s3, s0;
	s1 =	sshll.u32 s1, $0x11  }
0xba: {  	s0 =	sor.u32 s1, s0  }
0xbb: {  	s0 =	sadd.s32 $0x8F2B, s0  }
0xbc: {  	[sflag:s0] =	ssyncadd.remote.s32 $0x1  }
0xbd: {  	_ =	sfence.sel $0xFFFF  }
0xbe: {  	[dreg:$0x0] =	wrdreg $0xFFFFFFFF;
	(pc) =	sbr.abs _section_cstart, $3  }
0xbf: {  	[dreg:$0x1] =	wrdreg $0xFFFFFFFF  }
0xc0: {  	_ =	task.clear_ibuf [dreg:s6], $0x2FFFF;
	_ =	strace $0x9FFFFFFF  }
0xc1: {  	(tm) =	ssettm $0x7FFFFFFF  }
tec
execute0_lowered:
.L_overlay_start_1:
0x0: {  	(tag) =	ssettag $0x1  }
0x1: {  	s7 =	rddreg [dreg:$0x0]  }
0x2: {  	s0 =	rddreg [dreg:$0x1];
	s2 =	simm.s32 $0x0;
	s3 =	srdreg.scid  }
0x3: {  	s1 =	stileid.u32;
	s11 =	simm.s32 $0x4000;
	s12 =	simm.s32 $0x8000  }
0x4: {  	s13 =	simm.s32 $0xC000;
	s14 =	simm.s32 $0x0;
	s18 =	simm.s32 $0x0  }
0x5: {  	[smem:$0x7FF] =	sst s2;
	s6 =	sand.u32 $0x1, s3;
	s5 =	sshll.u32 s1, $0x1  }
0x6: {  	s3 =	sadd.s32 $0x1000, s7;
	s4 =	sadd.s32 $0x101000, s7;
	_ =	strace $0x80000053  }
0x7: {  	s8 =	sor.u32 s6, s5;
	s5 =	sadd.s32 $0x201000, s7;
	s10 =	ssub.s32 $0x2, s6  }
0x8: {  	s6 =	sadd.s32 $0x301000, s7;
	s9 =	sshll.u32 s8, $0x1;
	s31 =	sshrl.u32 s10, $0x1  }
0x9: {  	s9 =	sadd.s32 s9, s7;
	s10 =	ssub.s32 s10, s31;
	s7 =	sshll.u32 s8, $0xD  }
0xa: {  	s8 =	sadd.s32 $0x401000, s9;
	s9 =	smax.u32 s10, $0x1;
	s10 =	simm.s32 $0x1  }
.LBB2_1:
0xb: {  	v1 =	vimm.f32 $0.0e+00;
	v0 =	vimm.f32 $0.0e+00;
	s15 =	simm.s32 $0x0  }
.LBB2_2:
0xc: {  	s16 =	sshll.u32 s15, $0xB  }
0xd: {  	s16 =	sadd.s32 s7, s16  }
0xe: {  	s17 =	sadd.s32 s3, s16  }
0xf: {  	[tilespmem:s18], [sflag:$0x1] =	stream.linear.gather [hbm4b:s17+s18], $0x4000, $0x38;
	[tilespmem:$0x10000] =	vst v63  }
0x10: {  	_ =	swait.ge [sflag:s10], $0x4000  }
0x11: {  	[sflag:s10] =	ssyncset.done $0x0  }
0x12: {  	s28 =	sadd.s32 s4, s16;
	[sflag:s10] =	ssyncadd.s32 $0xFFFFC000  }
0x13: {  	[tilespmem:s11], [sflag:$0x1] =	stream.linear.gather [hbm4b:s28+s18], $0x4000, $0x38;
	[tilespmem:$0x10000] =	vst v63  }
0x14: {  	_ =	swait.ge [sflag:s10], $0x4000  }
0x15: {  	[sflag:s10] =	ssyncset.done $0x0  }
0x16: {  	s29 =	sadd.s32 s5, s16;
	[sflag:s10] =	ssyncadd.s32 $0xFFFFC000  }
0x17: {  	[tilespmem:s12], [sflag:$0x1] =	stream.linear.gather [hbm4b:s29+s18], $0x4000, $0x38;
	[tilespmem:$0x10000] =	vst v63  }
0x18: {  	_ =	swait.ge [sflag:s10], $0x4000  }
0x19: {  	[sflag:s10] =	ssyncset.done $0x0  }
0x1a: {  	s16 =	sadd.s32 s6, s16;
	[sflag:s10] =	ssyncadd.s32 $0xFFFFC000  }
0x1b: {  	[tilespmem:s13], [sflag:$0x1] =	stream.linear.gather [hbm4b:s16+s18], $0x4000, $0x38;
	[tilespmem:$0x10000] =	vst v63  }
0x1c: {  	_ =	swait.ge [sflag:s10], $0x4000  }
0x1d: {  	[sflag:s10] =	ssyncset.done $0x0  }
0x1e: {  	s30 =	simm.s32 $0x0;
	[sflag:s10] =	ssyncadd.s32 $0xFFFFC000  }
0x1f: {  	v2 =	vld [tilespmem:s30+$0x8000]  }
0x20: {  	v3 =	vld [tilespmem:s30+$0xC000]  }
0x21: {  	v5 =	vld [tilespmem:s30+$0x0]  }
0x22: {  	v6 =	vld [tilespmem:s30+$0x4000];
	_ =	sdelay $0x1  }
0x23: {  	s31 =	simm.s32 $0x10  }
0x24: {  	v4 =	vld [tilespmem:s31+$0xC000];
	v3 =	vsub.f32 v2, v3  }
0x25: {  	v2 =	vld [tilespmem:s31+$0x8000]  }
0x26: {  	v6 =	vsub.f32 v5, v6;
	v5 =	vld [tilespmem:s31+$0x4000];
	v7 =	vmul.f32 v3, v3  }
0x27: {  	v3 =	vld [tilespmem:s31+$0x0]  }
0x28: {  	s16 =	simm.s32 $0x80;
	v6 =	vmul.f32 v6, v6;
	v1 =	vadd.f32 v7, v1  }
.LBB2_3:
0x29: {  	s17 =	sshra.s32 s16, $0x2;
	p0 =	sne.s32 s16, $0xFFC0  }
.Ltmp0:
0x2a: {  	s16 =	sadd.s32 $0x40, s16;
	v7 =	vsub.f32 v2, v4;
	v2 =	vld [tilespmem:s17+$0x8000];
	v0 =	vadd.f32 v6, v0;
	(pc) =	sbr.rel @p0 .LBB2_3-.Ltmp0, $4  }
0x2b: {  	v4 =	vld [tilespmem:s17+$0xC000]  }
0x2c: {  	v6 =	vsub.f32 v3, v5;
	v3 =	vld [tilespmem:s17+$0x0];
	v7 =	vmul.f32 v7, v7  }
0x2d: {  	v5 =	vld [tilespmem:s17+$0x4000]  }
0x2e: {  	v6 =	vmul.f32 v6, v6;
	v1 =	vadd.f32 v7, v1  }
0x2f: {  	_ = 	snop  }
0x30: {  	s15 =	sadd.s32 $0x1, s15  }
0x31: {  	p0 =	sne.s32 s15, $0x4  }
.Ltmp1:
0x32: {  	v2 =	vsub.f32 v2, v4;
	v3 =	vsub.f32 v3, v5;
	(pc) =	sbr.rel @p0 .LBB2_2-.Ltmp1, $3  }
0x33: {  	_ = 	snop  }
0x34: {  	v0 =	vadd.f32 v6, v0;
	v2 =	vmul.f32 v2, v2;
	v3 =	vmul.f32 v3, v3;
	_ =	sdelay $0x1  }
0x35: {  	v1 =	vadd.f32 v2, v1;
	v0 =	vadd.f32 v3, v0  }
0x36: {  	_ = 	snop  }
0x37: {  	s14 =	sadd.s32 $0x1, s14;
	v0 =	vadd.f32 v1, v0  }
0x38: {  	p0 =	sne.s32 s14, s9  }
.Ltmp2:
0x39: {  	[tilespmem:$0x0] =	vst v0;
	(pc) =	sbr.rel @p0 .LBB2_1-.Ltmp2, $4  }
0x3a: {  	[hbm4b:s8+s2] =	stream.linear.scatter [tilespmem:s2], [sflag:$0x1], $0x10, $0x38;
	[tilespmem:$0x10000] =	vst v63  }
0x3b: {  	_ =	swait.ge [sflag:s10], $0x10  }
0x3c: {  	[sflag:s10] =	ssyncset.done $0x0  }
0x3d: {  	[sflag:s10] =	ssyncadd.s32 $0xFFFFFFF0  }
0x3e: {  	_ =	sfence.sel $0x180000  }
0x3f: {  	[bflag:$0x0] =	sbarrier.arrive $0xFFFF  }
0x40: {  	p0 =	sne.s32 s1, $0x0;
	_ =	strace $0x90000053  }
0x41: {  	s0 =	sadd.s32 @!p0 $0x100000, s0;
	[bflag:$0x2] =	sbarrier.arrive $0xFFFF  }
0x42: {  	[sflag:s0] =	ssyncadd.tile.s32 @!p0 $0x1;
	_ =	shalt  }
.Lfunc_end2:
_tile_overlayer_lowered:
.L_overlay_start_2:
0x43: {  	(tag) =	ssettag $0x2  }
0x44: {  	s0 =	rddreg [dreg:$0x0];
	s2 =	stileid.u32  }
0x45: {  	s1 =	rddreg [dreg:$0x1];
	p0 =	sne.s32 s2, $0x0  }
0x46: {  	s3 =	rddreg [dreg:$0x2];
	[bflag:$0x3] =	sbarrier.arrive $0xFFFF;
	s2 =	simm.s32 @!p0 $0x1C01  }
0x47: {  	[timem:s3], [sflag:s2] =	dma.local @!p0 [hbm:s0], s1  }
0x48: {  	s0 =	simm.s32 @!p0 $0x1  }
0x49: {  	_ =	swait.ge @!p0 [sflag:s0], s1  }
0x4a: {  	s1 =	ssub.s32 @!p0 $0x0, s1;
	[sflag:s0] =	ssyncset.done @!p0 $0x0  }
0x4b: {  	[sflag:s0] =	ssyncadd.s32 @!p0 s1  }
0x4c: {  	[bflag:$0x3] =	sbarrier.arrive $0xFFFF  }
0x4d: {  	_ =	shalt  }

// kernel: sparse-core-data-format-call.1.cloned.1.call-start
scs
called_computation.1_lowered:
.L_overlay_start_0:
0x0: {  	s2 =	sld [smem:$0x3FD9]  }
0x1: {  	s3 =	sld [smem:$0x3FFE];
	_ =	sdelay $0x1  }
0x2: {  	s1 =	srdreg.scid  }
0x3: {  	s0 =	sand.u32 $0x1, s1  }
0x4: {  	s18 =	sshll.u32 s0, $0xA;
	s2 =	sadd.s32 s3, s2  }
0x5: {  	s2 =	sadd.s32 s2, s18  }
0x6: {  	[smem:$0x3FC4] =	sst s2  }
0x7: {  	_ = 	snop  }
0x8: {  	s19 =	sld [smem:$0x3FC8];
	(tm) =	ssettm $0x1  }
0x9: {  	s20 =	sld [smem:$0x3FFB];
	_ =	sdelay $0x3  }
0xa: {  	_ =	strace s20  }
0xb: {  	s2 =	sld [smem:$0x3FFC];
	_ =	sdelay $0x3  }
0xc: {  	_ =	strace s2  }
0xd: {  	s2 =	sld [smem:$0x3FFD];
	_ =	sdelay $0x3  }
0xe: {  	_ =	strace s2  }
0xf: {  	_ =	strace $0x8FFFFFFF  }
0x10: {  	s21 =	sld [smem:$0x3FDB];
	_ =	sdelay $0x1  }
0x11: {  	s4 =	simm.s32 $_scs_section_size  }
0x12: {  	s5 =	simm.s32 $_size__tile_overlayer_lowered;
	s6 =	simm.s32 $_tile_overlayer_lowered  }
0x13: {  	s7 =	simm.s32 $0x1BFF;
	s22 =	sshll.u32 s6, $0x1;
	s4 =	sadd.s32 s4, s21  }
0x14: {  	s23 =	simm.s32 $0x0;
	s5 =	sshll.u32 s5, $0x1;
	s6 =	sadd.s32 s22, s4  }
0x15: {  	[timem:s23], [sflag:s7] =	dma.local [hbm:s6], s5  }
0x16: {  	_ =	swait.ge [sflag:s7], s5  }
0x17: {  	s5 =	ssub.s32 $0x0, s5;
	[sflag:s7] =	ssyncset.done $0x0  }
0x18: {  	[sflag:s7] =	ssyncadd.s32 s5;
	_ =	sdelay $0x1  }
0x19: {  	s24 =	simm.s32 $0x1B8B  }
0x1a: {  	_ =	swait.ge [sflag:s24], $0x1  }
0x1b: {  	[sflag:s24] =	ssyncset.done $0x0  }
0x1c: {  	[sflag:s24] =	ssyncadd.s32 $0xFFFFFFFF  }
0x1d: {  	s5 =	sld [smem:$0x0]  }
0x1e: {  	s6 =	sand.u32 $0xFFFFFFFE, s1  }
0x1f: {  	p0 =	sne.s32 s1, s6  }
0x20: {  	s6 =	sshll.u32 @p0 s6, $0xE  }
0x21: {  	s6 =	sadd.s32 @p0 $0x11B8D, s6;
	s7 =	sshll.u32 @p0 s5, $0x11  }
0x22: {  	s6 =	sor.u32 @p0 s7, s6  }
0x23: {  	[sflag:s6] =	ssyncadd.remote.s32 @p0 $0x1;
	_ =	sdelay $0x1  }
0x24: {  	s6 =	simm.s32 @p0 $0x1B8D  }
0x25: {  	_ =	swait.eq @p0 [sflag:s6], $0x1  }
0x26: {  	[sflag:s6] =	ssyncadd.s32 @p0 $0xFFFFFFFF  }
0x27: {  	s7 =	sshll.u32 @!p0 s1, $0xE  }
0x28: {  	s7 =	sor.u32 @!p0 $0x4000, s7;
	s6 =	simm.s32 @!p0 $0x1B8D  }
0x29: {  	s5 =	sshll.u32 @!p0 s5, $0x11;
	s7 =	sadd.s32 @!p0 $0x11B8D, s7;
	_ =	swait.eq @!p0 [sflag:s6], $0x1  }
0x2a: {  	s5 =	sor.u32 @!p0 s5, s7;
	[sflag:s6] =	ssyncadd.s32 @!p0 $0xFFFFFFFF  }
0x2b: {  	s26 =	simm.s32 $0x1B8E;
	s25 =	sld [smem:$0x3FFE];
	[sflag:s5] =	ssyncadd.remote.s32 @!p0 $0x1  }
0x2c: {  	s27 =	simm.s32 $execute0_lowered;
	[smem:$0x3FD2] =	sst s26  }
0x2d: {  	s6 =	sshll.u32 s27, $0x1;
	_ =	strace $0x8000004C;
	[dreg:$0x1] =	wrdreg $0xFFFFFFFF  }
0x2e: {  	s28 =	simm.s32 $_size_execute0_lowered;
	s4 =	sadd.s32 s4, s6;
	[dreg:$0x0] =	wrdreg $0x0  }
0x2f: {  	s6 =	sshll.u32 s28, $0x1;
	[dreg:$0x2] =	wrdreg s4  }
0x30: {  	[dreg:$0x3] =	wrdreg s6  }
0x31: {  	[dreg:$0x4] =	wrdreg $0xC0  }
0x32: {  	_ =	task [dreg:s23], $0x5FFFF  }
0x33: {  	[dreg:$0x1] =	wrdreg $0xFFFFFFFF  }
0x34: {  	[dreg:$0x0] =	wrdreg $0x60  }
0x35: {  	[dreg:$0x2] =	wrdreg s19  }
0x36: {  	[dreg:$0x3] =	wrdreg s25  }
0x37: {  	[dreg:$0x4] =	wrdreg $0xA  }
0x38: {  	_ =	task.clear_ibuf [dreg:s23], $0x5FFFF;
	_ =	strace $0x9000004C  }
0x39: {  	s29 =	simm.s32 $0xA;
	_ =	strace $0x8000004E  }
0x3a: {  	_ =	swait.ge [sflag:s29], $0x1  }
0x3b: {  	[sflag:s29] =	ssyncadd.s32 $0xFFFFFFFF  }
0x3c: {  	_ =	strace $0x9000004E  }
0x3d: {  	_ =	sfence  }
0x3e: {  	s30 =	sld [smem:$0x0];
	_ =	sdelay $0x2  }
0x3f: {  	s31 =	sshll.u32 s1, $0xD;
	s1 =	sshrl.u32 s1, $0x2  }
0x40: {  	s4 =	sand.u32 $0x4000, s31;
	s1 =	sadd.s32 s1, s30  }
0x41: {  	s0 =	sor.u32 s4, s0;
	s1 =	sshll.u32 s1, $0x11  }
0x42: {  	s0 =	sor.u32 s1, s0  }
0x43: {  	s0 =	sadd.s32 $0x8F2B, s0  }
0x44: {  	[sflag:s0] =	ssyncadd.remote.s32 $0x1  }
0x45: {  	_ =	sfence.sel $0xFFFF  }
0x46: {  	[dreg:$0x0] =	wrdreg $0xFFFFFFFF;
	(pc) =	sbr.abs _section_cstart, $3  }
0x47: {  	[dreg:$0x1] =	wrdreg $0xFFFFFFFF  }
0x48: {  	_ =	task.clear_ibuf [dreg:s23], $0x2FFFF;
	_ =	strace $0x9FFFFFFF  }
0x49: {  	(tm) =	ssettm $0x7FFFFFFF  }
tec
execute0_lowered:
.L_overlay_start_1:
0x0: {  	(tag) =	ssettag $0x1  }
0x1: {  	s0 =	srdreg.scid  }
0x2: {  	s1 =	sshll.u32 s0, $0x4  }
0x3: {  	s2 =	rddreg [dreg:$0x0];
	s0 =	stileid.u32;
	s1 =	sand.u32 $0x10, s1  }
0x4: {  	s4 =	rddreg [dreg:$0x1];
	s7 =	simm.s32 $0x1;
	s1 =	sor.u32 s0, s1  }
0x5: {  	s8 =	simm.s32 $0x2;
	s9 =	simm.s32 $0x0;
	s3 =	sshll.u32 s1, $0x1  }
0x6: {  	s12 =	simm.s32 $0x0;
	s11 =	simm.s32 $0x0;
	s6 =	ssub.s32 $0x400, s3  }
.Ltmp0:
0x7: {  	s4 =	sadd.s32 $0x201000, s4;
	s5 =	sand.u32 $0x3E, s6;
	(pc) =	sbr.rel .LBB1_1-.Ltmp0, $4  }
0x8: {  	s1 =	rddreg [dreg:$0x2];
	_ =	strace $0x8000004D;
	p0 =	sne.s32 s5, $0x0  }
0x9: {  	s6 =	sshrl.u32 s6, $0x6;
	s5 =	simm.s32 $0x1;
	s7 =	simm.s32 @!p0 $0x0  }
0xa: {  	s10 =	smov.u32 s3;
	[sflag:s5] =	ssyncpa.u1 $0x0;
	s6 =	sadd.s32 s7, s6  }
0xb: {  	[sflag:s8] =	ssyncpa.u1 $0x0;
	s8 =	simm.s32 $0x0;
	s7 =	sadd.s32 $0x1, s6  }
.LBB1_9:
0xc: {  	s14 =	sadd.s32 $0x40, s10  }
0xd: {  	p1 =	sgt.s32 s14, $0x3FF  }
0xe: {  	s14 =	smov.u32 @p1 s3;
	p1 =	sne.s32 s11, s7  }
.Ltmp1:
0xf: {  	p0 =	slt.u32 s11, $0x2;
	(pc) =	sbr.rel @!p1 .LBB1_10-.Ltmp1, $4  }
0x10: {  	s13 =	simm.s32 @!p0 $0x2  }
0x11: {  	s15 =	sadd.s32 $0x1, s11;
	_ =	swait.ge @!p0 [sflag:s13], $0x4000  }
0x12: {  	s12 =	smov.u32 s10;
	s9 =	sadd.s32 $0x4000, s9;
	[sflag:s13] =	ssyncset.done @!p0 $0x0  }
0x13: {  	s11 =	smov.u32 s15;
	s10 =	smov.u32 s14;
	[sflag:s13] =	ssyncadd.s32 @!p0 $0xFFFFC000  }
.LBB1_1:
0x14: {  	p0 =	sge.u32 s11, s6  }
0x15: {  	s13 =	sxor.u32 @!p0 $0xFFFFFFFF, s11  }
0x16: {  	s31 =	sadd.s32 $0xFFFFFFFF, s11;
	s14 =	sshll.u32 @!p0 s10, $0xA;
	s13 =	sshll.u32 @!p0 s13, $0xE  }
0x17: {  	s15 =	simm.s32 @!p0 $0x0;
	s14 =	sadd.s32 @!p0 s2, s14;
	s13 =	sand.u32 @!p0 $0x4000, s13  }
0x18: {  	[tilespmem:s13], [sflag:$0x1] =	stream.linear.gather @!p0 [hbm4b:s14+s15], $0x4000, $0x38;
	[tilespmem:$0x10000] =	vst v63  }
0x19: {  	p0 =	sge.u32 s31, s6  }
.Ltmp2:
0x1a: {  	_ = 	snop;
	(pc) =	sbr.rel @p0 .LBB1_9-.Ltmp2, $1  }
0x1b: {  	_ =	sdelay $0x3  }
0x1c: {  	s13 =	sshll.u32 s9, $0x2  }
0x1d: {  	_ =	swait.ge [sflag:s5], $0x4000;
	s14 =	sshll.u32 s11, $0xE;
	s16 =	simm.s32 $0x0  }
0x1e: {  	p1 =	por $0x1, $0x1;
	s13 =	sand.u32 $0x10000, s13;
	[sflag:s5] =	ssyncset.done $0x0  }
0x1f: {  	s14 =	sand.u32 $0x4000, s14;
	s15 =	sshrl.u32 s13, $0x2;
	[sflag:s5] =	ssyncadd.s32 $0xFFFFC000  }
0x20: {  	s13 =	sor.u32 $0x8000, s14;
	s14 =	sadd.s32 $0x8040, s15;
	s15 =	sadd.s32 $0x40, s15  }
.LBB1_3:
0x21: {  	s16 =	sshll.u32 s16, $0x2  }
0x22: {  	p0 =	por p1, p1;
	s17 =	sshra.s32 s16, $0x2  }
0x23: {  	s18 =	simm.s32 $0x0;
	s16 =	sadd.s32 s17, s14;
	s17 =	sadd.s32 s17, s15  }
.LBB1_4:
0x24: {  	v0 =	vmov s17;
	_ =	sdelay $0x3  }
0x25: {  	s20 =	simm.s32 $0x0  }
0x26: {  	v6 =	vld.idx.msk [tilespmem:v0+s20+$0x30 ss:$0x1], $0xffff  }
0x27: {  	v7 =	vld.idx.msk [tilespmem:v0+s20+$0xFFFFFFC0 ss:$0x1], $0xffff  }
0x28: {  	v5 =	vld.idx.msk [tilespmem:v0+s20+$0xFFFFFFD0 ss:$0x1], $0xffff  }
0x29: {  	v4 =	vld.idx.msk [tilespmem:v0+s20+$0xFFFFFFE0 ss:$0x1], $0xffff  }
0x2a: {  	v3 =	vld.idx.msk [tilespmem:v0+s20+$0xFFFFFFF0 ss:$0x1], $0xffff  }
0x2b: {  	v1 =	vld.idx.msk [tilespmem:v0+s20+$0x0 ss:$0x1], $0xffff  }
0x2c: {  	v2 =	vld.idx.msk [tilespmem:v0+s20+$0x10 ss:$0x1], $0xffff;
	[tilespmem:s16+$0x30] =	vst v6  }
0x2d: {  	s19 =	simm.s32 $0x80;
	s21 =	simm.s32 $0x400;
	[tilespmem:s16+$0xFFFFFFC0] =	vst v7;
	v6 =	vld.idx.msk [tilespmem:v0+s20+$0x20 ss:$0x1], $0xffff;
	s20 =	smov.u32 s16  }
.LBB1_5:
0x2e: {  	p1 =	sne.s32 s21, $0xE00;
	v7 =	vld.idx.msk [tilespmem:v0+s19+$0x30 ss:$0x1], $0xffff;
	[tilespmem:s20+$0xFFFFFFD0] =	vst v5  }
0x2f: {  	v8 =	vld.idx.msk [tilespmem:v0+s19+$0xFFFFFFC0 ss:$0x1], $0xffff;
	[tilespmem:s20+$0xFFFFFFE0] =	vst v4  }
0x30: {  	v5 =	vld.idx.msk [tilespmem:v0+s19+$0xFFFFFFD0 ss:$0x1], $0xffff;
	[tilespmem:s20+$0xFFFFFFF0] =	vst v3  }
.Ltmp3:
0x31: {  	v4 =	vld.idx.msk [tilespmem:v0+s19+$0xFFFFFFE0 ss:$0x1], $0xffff;
	[tilespmem:s20+$0x0] =	vst v1;
	(pc) =	sbr.rel @p1 .LBB1_5-.Ltmp3, $4  }
0x32: {  	v3 =	vld.idx.msk [tilespmem:v0+s19+$0xFFFFFFF0 ss:$0x1], $0xffff;
	[tilespmem:s20+$0x10] =	vst v2  }
0x33: {  	v1 =	vld.idx.msk [tilespmem:v0+s19+$0x0 ss:$0x1], $0xffff;
	[tilespmem:s20+$0x20] =	vst v6;
	s20 =	sadd.s32 $0x400, s20  }
0x34: {  	v2 =	vld.idx.msk [tilespmem:v0+s19+$0x10 ss:$0x1], $0xffff;
	[tilespmem:s20+$0x30] =	vst v7  }
0x35: {  	[tilespmem:s20+$0xFFFFFFC0] =	vst v8;
	v6 =	vld.idx.msk [tilespmem:v0+s19+$0x20 ss:$0x1], $0xffff;
	s19 =	sshra.s32 s21, $0x2;
	s21 =	sadd.s32 $0x200, s21  }
0x36: {  	_ =	sdelay $0x2  }
0x37: {  	[tilespmem:s20+$0xFFFFFFD0] =	vst v5  }
0x38: {  	v56 =	vld.idx.msk [tilespmem:v0+s19+$0x30 ss:$0x1], $0xffff;
	[tilespmem:s20+$0xFFFFFFE0] =	vst v4  }
0x39: {  	v57 =	vld.idx.msk [tilespmem:v0+s19+$0xFFFFFFC0 ss:$0x1], $0xffff;
	[tilespmem:s20+$0xFFFFFFF0] =	vst v3  }
0x3a: {  	v58 =	vld.idx.msk [tilespmem:v0+s19+$0xFFFFFFD0 ss:$0x1], $0xffff;
	[tilespmem:s20+$0x0] =	vst v1  }
0x3b: {  	v59 =	vld.idx.msk [tilespmem:v0+s19+$0xFFFFFFE0 ss:$0x1], $0xffff;
	[tilespmem:s20+$0x10] =	vst v2  }
0x3c: {  	v60 =	vld.idx.msk [tilespmem:v0+s19+$0xFFFFFFF0 ss:$0x1], $0xffff;
	s31 =	sadd.s32 $0x400, s20;
	[tilespmem:s20+$0x20] =	vst v6  }
0x3d: {  	v61 =	vld.idx.msk [tilespmem:v0+s19+$0x0 ss:$0x1], $0xffff;
	[tilespmem:s31+$0x30] =	vst v56  }
0x3e: {  	v62 =	vld.idx.msk [tilespmem:v0+s19+$0x10 ss:$0x1], $0xffff;
	s18 =	sadd.s32 $0x1, s18;
	[tilespmem:s31+$0xFFFFFFC0] =	vst v57  }
0x3f: {  	v63 =	vld.idx.msk [tilespmem:v0+s19+$0x20 ss:$0x1], $0xffff;
	p1 =	sne.s32 s18, $0x8;
	[tilespmem:s31+$0xFFFFFFD0] =	vst v58  }
.Ltmp4:
0x40: {  	[tilespmem:s31+$0xFFFFFFE0] =	vst v59;
	(pc) =	sbr.rel @p1 .LBB1_4-.Ltmp4, $4  }
0x41: {  	[tilespmem:s31+$0xFFFFFFF0] =	vst v60  }
0x42: {  	[tilespmem:s31+$0x0] =	vst v61  }
0x43: {  	[tilespmem:s31+$0x10] =	vst v62  }
0x44: {  	s16 =	sadd.s32 $0x80, s16;
	s17 =	sadd.s32 $0x400, s17;
	[tilespmem:s31+$0x20] =	vst v63  }
.Ltmp5:
0x45: {  	(pc) =	sbr.rel @p0 .LBB1_3-.Ltmp5, $2  }
0x46: {  	_ =	sdelay $0x2  }
0x47: {  	s16 =	simm.s32 $0x2000;
	p1 =	por $0x0, $0x0  }
.Ltmp6:
0x48: {  	(pc) =	sbr.rel .LBB1_9-.Ltmp6, $4  }
0x49: {  	_ = 	snop  }
0x4a: {  	s12 =	sshll.u32 s12, $0xA  }
0x4b: {  	s12 =	sadd.s32 s4, s12  }
0x4c: {  	[hbm4b:s12+s8] =	stream.linear.scatter [tilespmem:s13], [sflag:$0x2], $0x4000, $0x38;
	[tilespmem:$0x10000] =	vst v63  }
.LBB1_10:
0x4d: {  	_ =	sfence.sel $0x180000  }
0x4e: {  	s2 =	simm.s32 $0x1;
	[bflag:$0x0] =	sbarrier.arrive $0xFFFF  }
0x4f: {  	s31 =	simm.s32 $0x2;
	[sflag:s2] =	ssyncpa.u1 $0x1  }
0x50: {  	[sflag:s31] =	ssyncpa.u1 $0x1  }
0x51: {  	p0 =	sne.s32 s0, $0x0;
	_ =	strace $0x9000004D  }
0x52: {  	s0 =	sadd.s32 @!p0 $0x100000, s1;
	[bflag:$0x2] =	sbarrier.arrive $0xFFFF  }
0x53: {  	[sflag:s0] =	ssyncadd.tile.s32 @!p0 $0x1;
	_ =	shalt  }
.Lfunc_end1:
_tile_overlayer_lowered:
.L_overlay_start_2:
0x54: {  	(tag) =	ssettag $0x2  }
0x55: {  	s0 =	rddreg [dreg:$0x0];
	s2 =	stileid.u32  }
0x56: {  	s1 =	rddreg [dreg:$0x1];
	p0 =	sne.s32 s2, $0x0  }
0x57: {  	s3 =	rddreg [dreg:$0x2];
	[bflag:$0x3] =	sbarrier.arrive $0xFFFF;
	s2 =	simm.s32 @!p0 $0x1C01  }
0x58: {  	[timem:s3], [sflag:s2] =	dma.local @!p0 [hbm:s0], s1  }
0x59: {  	s0 =	simm.s32 @!p0 $0x1  }
0x5a: {  	_ =	swait.ge @!p0 [sflag:s0], s1  }
0x5b: {  	s1 =	ssub.s32 @!p0 $0x0, s1;
	[sflag:s0] =	ssyncset.done @!p0 $0x0  }
0x5c: {  	[sflag:s0] =	ssyncadd.s32 @!p0 s1  }
0x5d: {  	[bflag:$0x3] =	sbarrier.arrive $0xFFFF  }
0x5e: {  	_ =	shalt  }

// kernel: sparse-core-data-format-call.2.cloned.1.call-start
scs
called_computation.2_lowered:
.L_overlay_start_0:
0x0: {  	s2 =	sld [smem:$0x3FD9]  }
0x1: {  	s3 =	sld [smem:$0x3FFE];
	_ =	sdelay $0x1  }
0x2: {  	s1 =	srdreg.scid  }
0x3: {  	s0 =	sand.u32 $0x1, s1  }
0x4: {  	s18 =	sshll.u32 s0, $0xA;
	s2 =	sadd.s32 s3, s2  }
0x5: {  	s2 =	sadd.s32 s2, s18  }
0x6: {  	[smem:$0x3FC4] =	sst s2  }
0x7: {  	_ = 	snop  }
0x8: {  	s19 =	sld [smem:$0x3FC7];
	(tm) =	ssettm $0x1  }
0x9: {  	s20 =	sld [smem:$0x3FFB];
	_ =	sdelay $0x3  }
0xa: {  	_ =	strace s20  }
0xb: {  	s2 =	sld [smem:$0x3FFC];
	_ =	sdelay $0x3  }
0xc: {  	_ =	strace s2  }
0xd: {  	s2 =	sld [smem:$0x3FFD];
	_ =	sdelay $0x3  }
0xe: {  	_ =	strace s2  }
0xf: {  	_ =	strace $0x8FFFFFFF  }
0x10: {  	s21 =	sld [smem:$0x3FDB];
	_ =	sdelay $0x1  }
0x11: {  	s4 =	simm.s32 $_scs_section_size  }
0x12: {  	s5 =	simm.s32 $_size__tile_overlayer_lowered;
	s6 =	simm.s32 $_tile_overlayer_lowered  }
0x13: {  	s7 =	simm.s32 $0x1BFF;
	s22 =	sshll.u32 s6, $0x1;
	s4 =	sadd.s32 s4, s21  }
0x14: {  	s23 =	simm.s32 $0x0;
	s5 =	sshll.u32 s5, $0x1;
	s6 =	sadd.s32 s22, s4  }
0x15: {  	[timem:s23], [sflag:s7] =	dma.local [hbm:s6], s5  }
0x16: {  	_ =	swait.ge [sflag:s7], s5  }
0x17: {  	s5 =	ssub.s32 $0x0, s5;
	[sflag:s7] =	ssyncset.done $0x0  }
0x18: {  	[sflag:s7] =	ssyncadd.s32 s5;
	_ =	sdelay $0x1  }
0x19: {  	s24 =	simm.s32 $0x1B8B  }
0x1a: {  	_ =	swait.ge [sflag:s24], $0x1  }
0x1b: {  	[sflag:s24] =	ssyncset.done $0x0  }
0x1c: {  	[sflag:s24] =	ssyncadd.s32 $0xFFFFFFFF  }
0x1d: {  	s5 =	sld [smem:$0x0]  }
0x1e: {  	s6 =	sand.u32 $0xFFFFFFFE, s1  }
0x1f: {  	p0 =	sne.s32 s1, s6  }
0x20: {  	s6 =	sshll.u32 @p0 s6, $0xE  }
0x21: {  	s6 =	sadd.s32 @p0 $0x11B8D, s6;
	s7 =	sshll.u32 @p0 s5, $0x11  }
0x22: {  	s6 =	sor.u32 @p0 s7, s6  }
0x23: {  	[sflag:s6] =	ssyncadd.remote.s32 @p0 $0x1;
	_ =	sdelay $0x1  }
0x24: {  	s6 =	simm.s32 @p0 $0x1B8D  }
0x25: {  	_ =	swait.eq @p0 [sflag:s6], $0x1  }
0x26: {  	[sflag:s6] =	ssyncadd.s32 @p0 $0xFFFFFFFF  }
0x27: {  	s7 =	sshll.u32 @!p0 s1, $0xE  }
0x28: {  	s7 =	sor.u32 @!p0 $0x4000, s7;
	s6 =	simm.s32 @!p0 $0x1B8D  }
0x29: {  	s5 =	sshll.u32 @!p0 s5, $0x11;
	s7 =	sadd.s32 @!p0 $0x11B8D, s7;
	_ =	swait.eq @!p0 [sflag:s6], $0x1  }
0x2a: {  	s5 =	sor.u32 @!p0 s5, s7;
	[sflag:s6] =	ssyncadd.s32 @!p0 $0xFFFFFFFF  }
0x2b: {  	s26 =	simm.s32 $0x1B8E;
	s25 =	sld [smem:$0x3FFE];
	[sflag:s5] =	ssyncadd.remote.s32 @!p0 $0x1  }
0x2c: {  	s27 =	simm.s32 $execute0_lowered;
	[smem:$0x3FD2] =	sst s26  }
0x2d: {  	s6 =	sshll.u32 s27, $0x1;
	_ =	strace $0x80000049;
	[dreg:$0x1] =	wrdreg $0xFFFFFFFF  }
0x2e: {  	s28 =	simm.s32 $_size_execute0_lowered;
	s4 =	sadd.s32 s4, s6;
	[dreg:$0x0] =	wrdreg $0x0  }
0x2f: {  	s6 =	sshll.u32 s28, $0x1;
	[dreg:$0x2] =	wrdreg s4  }
0x30: {  	[dreg:$0x3] =	wrdreg s6  }
0x31: {  	[dreg:$0x4] =	wrdreg $0xC0  }
0x32: {  	_ =	task [dreg:s23], $0x5FFFF  }
0x33: {  	[dreg:$0x1] =	wrdreg $0xFFFFFFFF  }
0x34: {  	[dreg:$0x0] =	wrdreg $0x60  }
0x35: {  	[dreg:$0x2] =	wrdreg s19  }
0x36: {  	[dreg:$0x3] =	wrdreg s25  }
0x37: {  	[dreg:$0x4] =	wrdreg $0xB  }
0x38: {  	_ =	task.clear_ibuf [dreg:s23], $0x5FFFF;
	_ =	strace $0x90000049  }
0x39: {  	s29 =	simm.s32 $0xB;
	_ =	strace $0x8000004B  }
0x3a: {  	_ =	swait.ge [sflag:s29], $0x1  }
0x3b: {  	[sflag:s29] =	ssyncadd.s32 $0xFFFFFFFF  }
0x3c: {  	_ =	strace $0x9000004B  }
0x3d: {  	_ =	sfence  }
0x3e: {  	s30 =	sld [smem:$0x0];
	_ =	sdelay $0x2  }
0x3f: {  	s31 =	sshll.u32 s1, $0xD;
	s1 =	sshrl.u32 s1, $0x2  }
0x40: {  	s4 =	sand.u32 $0x4000, s31;
	s1 =	sadd.s32 s1, s30  }
0x41: {  	s0 =	sor.u32 s4, s0;
	s1 =	sshll.u32 s1, $0x11  }
0x42: {  	s0 =	sor.u32 s1, s0  }
0x43: {  	s0 =	sadd.s32 $0x8F2B, s0  }
0x44: {  	[sflag:s0] =	ssyncadd.remote.s32 $0x1  }
0x45: {  	_ =	sfence.sel $0xFFFF  }
0x46: {  	[dreg:$0x0] =	wrdreg $0xFFFFFFFF;
	(pc) =	sbr.abs _section_cstart, $3  }
0x47: {  	[dreg:$0x1] =	wrdreg $0xFFFFFFFF  }
0x48: {  	_ =	task.clear_ibuf [dreg:s23], $0x2FFFF;
	_ =	strace $0x9FFFFFFF  }
0x49: {  	(tm) =	ssettm $0x7FFFFFFF  }
tec
execute0_lowered:
.L_overlay_start_1:
0x0: {  	(tag) =	ssettag $0x1  }
0x1: {  	s0 =	srdreg.scid  }
0x2: {  	s1 =	sshll.u32 s0, $0x4  }
0x3: {  	s2 =	rddreg [dreg:$0x0];
	s0 =	stileid.u32;
	s1 =	sand.u32 $0x10, s1  }
0x4: {  	s4 =	rddreg [dreg:$0x1];
	s7 =	simm.s32 $0x1;
	s1 =	sor.u32 s0, s1  }
0x5: {  	s8 =	simm.s32 $0x2;
	s9 =	simm.s32 $0x0;
	s3 =	sshll.u32 s1, $0x1  }
0x6: {  	s12 =	simm.s32 $0x0;
	s11 =	simm.s32 $0x0;
	s6 =	ssub.s32 $0x400, s3  }
.Ltmp0:
0x7: {  	s4 =	sadd.s32 $0x101000, s4;
	s5 =	sand.u32 $0x3E, s6;
	(pc) =	sbr.rel .LBB1_1-.Ltmp0, $4  }
0x8: {  	s1 =	rddreg [dreg:$0x2];
	_ =	strace $0x8000004A;
	p0 =	sne.s32 s5, $0x0  }
0x9: {  	s6 =	sshrl.u32 s6, $0x6;
	s5 =	simm.s32 $0x1;
	s7 =	simm.s32 @!p0 $0x0  }
0xa: {  	s10 =	smov.u32 s3;
	[sflag:s5] =	ssyncpa.u1 $0x0;
	s6 =	sadd.s32 s7, s6  }
0xb: {  	[sflag:s8] =	ssyncpa.u1 $0x0;
	s8 =	simm.s32 $0x0;
	s7 =	sadd.s32 $0x1, s6  }
.LBB1_9:
0xc: {  	s14 =	sadd.s32 $0x40, s10  }
0xd: {  	p1 =	sgt.s32 s14, $0x3FF  }
0xe: {  	s14 =	smov.u32 @p1 s3;
	p1 =	sne.s32 s11, s7  }
.Ltmp1:
0xf: {  	p0 =	slt.u32 s11, $0x2;
	(pc) =	sbr.rel @!p1 .LBB1_10-.Ltmp1, $4  }
0x10: {  	s13 =	simm.s32 @!p0 $0x2  }
0x11: {  	s15 =	sadd.s32 $0x1, s11;
	_ =	swait.ge @!p0 [sflag:s13], $0x4000  }
0x12: {  	s12 =	smov.u32 s10;
	s9 =	sadd.s32 $0x4000, s9;
	[sflag:s13] =	ssyncset.done @!p0 $0x0  }
0x13: {  	s11 =	smov.u32 s15;
	s10 =	smov.u32 s14;
	[sflag:s13] =	ssyncadd.s32 @!p0 $0xFFFFC000  }
.LBB1_1:
0x14: {  	p0 =	sge.u32 s11, s6  }
0x15: {  	s13 =	sxor.u32 @!p0 $0xFFFFFFFF, s11  }
0x16: {  	s31 =	sadd.s32 $0xFFFFFFFF, s11;
	s14 =	sshll.u32 @!p0 s10, $0xA;
	s13 =	sshll.u32 @!p0 s13, $0xE  }
0x17: {  	s15 =	simm.s32 @!p0 $0x0;
	s14 =	sadd.s32 @!p0 s2, s14;
	s13 =	sand.u32 @!p0 $0x4000, s13  }
0x18: {  	[tilespmem:s13], [sflag:$0x1] =	stream.linear.gather @!p0 [hbm4b:s14+s15], $0x4000, $0x38;
	[tilespmem:$0x10000] =	vst v63  }
0x19: {  	p0 =	sge.u32 s31, s6  }
.Ltmp2:
0x1a: {  	_ = 	snop;
	(pc) =	sbr.rel @p0 .LBB1_9-.Ltmp2, $1  }
0x1b: {  	_ =	sdelay $0x3  }
0x1c: {  	s13 =	sshll.u32 s9, $0x2  }
0x1d: {  	_ =	swait.ge [sflag:s5], $0x4000;
	s14 =	sshll.u32 s11, $0xE;
	s16 =	simm.s32 $0x0  }
0x1e: {  	p1 =	por $0x1, $0x1;
	s13 =	sand.u32 $0x10000, s13;
	[sflag:s5] =	ssyncset.done $0x0  }
0x1f: {  	s14 =	sand.u32 $0x4000, s14;
	s15 =	sshrl.u32 s13, $0x2;
	[sflag:s5] =	ssyncadd.s32 $0xFFFFC000  }
0x20: {  	s13 =	sor.u32 $0x8000, s14;
	s14 =	sadd.s32 $0x8040, s15;
	s15 =	sadd.s32 $0x40, s15  }
.LBB1_3:
0x21: {  	s16 =	sshll.u32 s16, $0x2  }
0x22: {  	p0 =	por p1, p1;
	s17 =	sshra.s32 s16, $0x2  }
0x23: {  	s18 =	simm.s32 $0x0;
	s16 =	sadd.s32 s17, s14;
	s17 =	sadd.s32 s17, s15  }
.LBB1_4:
0x24: {  	v0 =	vmov s17;
	_ =	sdelay $0x3  }
0x25: {  	s20 =	simm.s32 $0x0  }
0x26: {  	v6 =	vld.idx.msk [tilespmem:v0+s20+$0x30 ss:$0x1], $0xffff  }
0x27: {  	v7 =	vld.idx.msk [tilespmem:v0+s20+$0xFFFFFFC0 ss:$0x1], $0xffff  }
0x28: {  	v5 =	vld.idx.msk [tilespmem:v0+s20+$0xFFFFFFD0 ss:$0x1], $0xffff  }
0x29: {  	v4 =	vld.idx.msk [tilespmem:v0+s20+$0xFFFFFFE0 ss:$0x1], $0xffff  }
0x2a: {  	v3 =	vld.idx.msk [tilespmem:v0+s20+$0xFFFFFFF0 ss:$0x1], $0xffff  }
0x2b: {  	v1 =	vld.idx.msk [tilespmem:v0+s20+$0x0 ss:$0x1], $0xffff  }
0x2c: {  	v2 =	vld.idx.msk [tilespmem:v0+s20+$0x10 ss:$0x1], $0xffff;
	[tilespmem:s16+$0x30] =	vst v6  }
0x2d: {  	s19 =	simm.s32 $0x80;
	s21 =	simm.s32 $0x400;
	[tilespmem:s16+$0xFFFFFFC0] =	vst v7;
	v6 =	vld.idx.msk [tilespmem:v0+s20+$0x20 ss:$0x1], $0xffff;
	s20 =	smov.u32 s16  }
.LBB1_5:
0x2e: {  	p1 =	sne.s32 s21, $0xE00;
	v7 =	vld.idx.msk [tilespmem:v0+s19+$0x30 ss:$0x1], $0xffff;
	[tilespmem:s20+$0xFFFFFFD0] =	vst v5  }
0x2f: {  	v8 =	vld.idx.msk [tilespmem:v0+s19+$0xFFFFFFC0 ss:$0x1], $0xffff;
	[tilespmem:s20+$0xFFFFFFE0] =	vst v4  }
0x30: {  	v5 =	vld.idx.msk [tilespmem:v0+s19+$0xFFFFFFD0 ss:$0x1], $0xffff;
	[tilespmem:s20+$0xFFFFFFF0] =	vst v3  }
.Ltmp3:
0x31: {  	v4 =	vld.idx.msk [tilespmem:v0+s19+$0xFFFFFFE0 ss:$0x1], $0xffff;
	[tilespmem:s20+$0x0] =	vst v1;
	(pc) =	sbr.rel @p1 .LBB1_5-.Ltmp3, $4  }
0x32: {  	v3 =	vld.idx.msk [tilespmem:v0+s19+$0xFFFFFFF0 ss:$0x1], $0xffff;
	[tilespmem:s20+$0x10] =	vst v2  }
0x33: {  	v1 =	vld.idx.msk [tilespmem:v0+s19+$0x0 ss:$0x1], $0xffff;
	[tilespmem:s20+$0x20] =	vst v6;
	s20 =	sadd.s32 $0x400, s20  }
0x34: {  	v2 =	vld.idx.msk [tilespmem:v0+s19+$0x10 ss:$0x1], $0xffff;
	[tilespmem:s20+$0x30] =	vst v7  }
0x35: {  	[tilespmem:s20+$0xFFFFFFC0] =	vst v8;
	v6 =	vld.idx.msk [tilespmem:v0+s19+$0x20 ss:$0x1], $0xffff;
	s19 =	sshra.s32 s21, $0x2;
	s21 =	sadd.s32 $0x200, s21  }
0x36: {  	_ =	sdelay $0x2  }
0x37: {  	[tilespmem:s20+$0xFFFFFFD0] =	vst v5  }
0x38: {  	v56 =	vld.idx.msk [tilespmem:v0+s19+$0x30 ss:$0x1], $0xffff;
	[tilespmem:s20+$0xFFFFFFE0] =	vst v4  }
0x39: {  	v57 =	vld.idx.msk [tilespmem:v0+s19+$0xFFFFFFC0 ss:$0x1], $0xffff;
	[tilespmem:s20+$0xFFFFFFF0] =	vst v3  }
0x3a: {  	v58 =	vld.idx.msk [tilespmem:v0+s19+$0xFFFFFFD0 ss:$0x1], $0xffff;
	[tilespmem:s20+$0x0] =	vst v1  }
0x3b: {  	v59 =	vld.idx.msk [tilespmem:v0+s19+$0xFFFFFFE0 ss:$0x1], $0xffff;
	[tilespmem:s20+$0x10] =	vst v2  }
0x3c: {  	v60 =	vld.idx.msk [tilespmem:v0+s19+$0xFFFFFFF0 ss:$0x1], $0xffff;
	s31 =	sadd.s32 $0x400, s20;
	[tilespmem:s20+$0x20] =	vst v6  }
0x3d: {  	v61 =	vld.idx.msk [tilespmem:v0+s19+$0x0 ss:$0x1], $0xffff;
	[tilespmem:s31+$0x30] =	vst v56  }
0x3e: {  	v62 =	vld.idx.msk [tilespmem:v0+s19+$0x10 ss:$0x1], $0xffff;
	s18 =	sadd.s32 $0x1, s18;
	[tilespmem:s31+$0xFFFFFFC0] =	vst v57  }
0x3f: {  	v63 =	vld.idx.msk [tilespmem:v0+s19+$0x20 ss:$0x1], $0xffff;
	p1 =	sne.s32 s18, $0x8;
	[tilespmem:s31+$0xFFFFFFD0] =	vst v58  }
.Ltmp4:
0x40: {  	[tilespmem:s31+$0xFFFFFFE0] =	vst v59;
	(pc) =	sbr.rel @p1 .LBB1_4-.Ltmp4, $4  }
0x41: {  	[tilespmem:s31+$0xFFFFFFF0] =	vst v60  }
0x42: {  	[tilespmem:s31+$0x0] =	vst v61  }
0x43: {  	[tilespmem:s31+$0x10] =	vst v62  }
0x44: {  	s16 =	sadd.s32 $0x80, s16;
	s17 =	sadd.s32 $0x400, s17;
	[tilespmem:s31+$0x20] =	vst v63  }
.Ltmp5:
0x45: {  	(pc) =	sbr.rel @p0 .LBB1_3-.Ltmp5, $2  }
0x46: {  	_ =	sdelay $0x2  }
0x47: {  	s16 =	simm.s32 $0x2000;
	p1 =	por $0x0, $0x0  }
.Ltmp6:
0x48: {  	(pc) =	sbr.rel .LBB1_9-.Ltmp6, $4  }
0x49: {  	_ = 	snop  }
0x4a: {  	s12 =	sshll.u32 s12, $0xA  }
0x4b: {  	s12 =	sadd.s32 s4, s12  }
0x4c: {  	[hbm4b:s12+s8] =	stream.linear.scatter [tilespmem:s13], [sflag:$0x2], $0x4000, $0x38;
	[tilespmem:$0x10000] =	vst v63  }
.LBB1_10:
0x4d: {  	_ =	sfence.sel $0x180000  }
0x4e: {  	s2 =	simm.s32 $0x1;
	[bflag:$0x0] =	sbarrier.arrive $0xFFFF  }
0x4f: {  	s31 =	simm.s32 $0x2;
	[sflag:s2] =	ssyncpa.u1 $0x1  }
0x50: {  	[sflag:s31] =	ssyncpa.u1 $0x1  }
0x51: {  	p0 =	sne.s32 s0, $0x0;
	_ =	strace $0x9000004A  }
0x52: {  	s0 =	sadd.s32 @!p0 $0x100000, s1;
	[bflag:$0x2] =	sbarrier.arrive $0xFFFF  }
0x53: {  	[sflag:s0] =	ssyncadd.tile.s32 @!p0 $0x1;
	_ =	shalt  }
.Lfunc_end1:
_tile_overlayer_lowered:
.L_overlay_start_2:
0x54: {  	(tag) =	ssettag $0x2  }
0x55: {  	s0 =	rddreg [dreg:$0x0];
	s2 =	stileid.u32  }
0x56: {  	s1 =	rddreg [dreg:$0x1];
	p0 =	sne.s32 s2, $0x0  }
0x57: {  	s3 =	rddreg [dreg:$0x2];
	[bflag:$0x3] =	sbarrier.arrive $0xFFFF;
	s2 =	simm.s32 @!p0 $0x1C01  }
0x58: {  	[timem:s3], [sflag:s2] =	dma.local @!p0 [hbm:s0], s1  }
0x59: {  	s0 =	simm.s32 @!p0 $0x1  }
0x5a: {  	_ =	swait.ge @!p0 [sflag:s0], s1  }
0x5b: {  	s1 =	ssub.s32 @!p0 $0x0, s1;
	[sflag:s0] =	ssyncset.done @!p0 $0x0  }
0x5c: {  	[sflag:s0] =	ssyncadd.s32 @!p0 s1  }
0x5d: {  	[bflag:$0x3] =	sbarrier.arrive $0xFFFF  }
0x5e: {  	_ =	shalt  }

// kernel: sparse-core-data-format-call.3.cloned.1.call-start
scs
called_computation.3_lowered:
.L_overlay_start_0:
0x0: {  	s2 =	sld [smem:$0x3FD9]  }
0x1: {  	s3 =	sld [smem:$0x3FFE];
	_ =	sdelay $0x1  }
0x2: {  	s1 =	srdreg.scid  }
0x3: {  	s0 =	sand.u32 $0x1, s1  }
0x4: {  	s18 =	sshll.u32 s0, $0xA;
	s2 =	sadd.s32 s3, s2  }
0x5: {  	s2 =	sadd.s32 s2, s18  }
0x6: {  	[smem:$0x3FC4] =	sst s2  }
0x7: {  	_ = 	snop  }
0x8: {  	s2 =	sld [smem:$0x3FC9];
	(tm) =	ssettm $0x1  }
0x9: {  	s19 =	sld [smem:$0x3FFB];
	_ =	sdelay $0x3  }
0xa: {  	_ =	strace s19  }
0xb: {  	s3 =	sld [smem:$0x3FFC];
	_ =	sdelay $0x3  }
0xc: {  	_ =	strace s3  }
0xd: {  	s3 =	sld [smem:$0x3FFD];
	_ =	sdelay $0x3  }
0xe: {  	_ =	strace s3  }
0xf: {  	_ =	strace $0x8FFFFFFF  }
0x10: {  	s20 =	sld [smem:$0x3FDB];
	_ =	sdelay $0x1  }
0x11: {  	s4 =	simm.s32 $_scs_section_size  }
0x12: {  	s5 =	simm.s32 $_size__tile_overlayer_lowered;
	s6 =	simm.s32 $_tile_overlayer_lowered  }
0x13: {  	s23 =	simm.s32 $0x1BFF;
	s22 =	sshll.u32 s6, $0x1;
	s3 =	sadd.s32 s4, s20  }
0x14: {  	s7 =	simm.s32 $0x0;
	s21 =	sshll.u32 s5, $0x1;
	s5 =	sadd.s32 s22, s3  }
0x15: {  	[timem:s7], [sflag:s23] =	dma.local [hbm:s5], s21  }
0x16: {  	_ =	swait.ge [sflag:s23], s21  }
0x17: {  	s4 =	ssub.s32 $0x0, s21;
	[sflag:s23] =	ssyncset.done $0x0  }
0x18: {  	[sflag:s23] =	ssyncadd.s32 s4;
	_ =	sdelay $0x1  }
0x19: {  	s24 =	simm.s32 $0x1B8B  }
0x1a: {  	_ =	swait.ge [sflag:s24], $0x1  }
0x1b: {  	[sflag:s24] =	ssyncset.done $0x0  }
0x1c: {  	s26 =	simm.s32 $0x1B8E;
	s25 =	sld [smem:$0x3FFE];
	[sflag:s24] =	ssyncadd.s32 $0xFFFFFFFF  }
0x1d: {  	s27 =	simm.s32 $execute0_lowered;
	[smem:$0x3FD2] =	sst s26  }
0x1e: {  	s5 =	sshll.u32 s27, $0x1;
	_ =	strace $0x80000046;
	[dreg:$0x1] =	wrdreg $0xFFFFFFFF  }
0x1f: {  	s28 =	simm.s32 $_size_execute0_lowered;
	s3 =	sadd.s32 s3, s5;
	[dreg:$0x0] =	wrdreg $0x0  }
0x20: {  	s5 =	sshll.u32 s28, $0x1;
	[dreg:$0x2] =	wrdreg s3  }
0x21: {  	[dreg:$0x3] =	wrdreg s5  }
0x22: {  	[dreg:$0x4] =	wrdreg $0xC0  }
0x23: {  	_ =	task [dreg:s7], $0x5FFFF  }
0x24: {  	[dreg:$0x1] =	wrdreg $0xFFFFFFFF  }
0x25: {  	[dreg:$0x0] =	wrdreg $0x60  }
0x26: {  	[dreg:$0x2] =	wrdreg s2  }
0x27: {  	[dreg:$0x3] =	wrdreg s25  }
0x28: {  	[dreg:$0x4] =	wrdreg $0xC  }
0x29: {  	_ =	task.clear_ibuf [dreg:s7], $0x5FFFF;
	_ =	strace $0x90000046  }
0x2a: {  	s29 =	simm.s32 $0xC;
	_ =	strace $0x80000048  }
0x2b: {  	_ =	swait.ge [sflag:s29], $0x1  }
0x2c: {  	[sflag:s29] =	ssyncadd.s32 $0xFFFFFFFF  }
0x2d: {  	_ =	strace $0x90000048  }
0x2e: {  	_ =	sfence  }
0x2f: {  	s30 =	sld [smem:$0x0];
	_ =	sdelay $0x2  }
0x30: {  	s31 =	sshll.u32 s1, $0xD;
	s1 =	sshrl.u32 s1, $0x2  }
0x31: {  	s3 =	sand.u32 $0x4000, s31;
	s1 =	sadd.s32 s1, s30  }
0x32: {  	s0 =	sor.u32 s3, s0;
	s1 =	sshll.u32 s1, $0x11  }
0x33: {  	s0 =	sor.u32 s1, s0  }
0x34: {  	s0 =	sadd.s32 $0x8F2B, s0  }
0x35: {  	[sflag:s0] =	ssyncadd.remote.s32 $0x1  }
0x36: {  	_ =	sfence.sel $0xFFFF  }
0x37: {  	[dreg:$0x0] =	wrdreg $0xFFFFFFFF;
	(pc) =	sbr.abs _section_cstart, $3  }
0x38: {  	[dreg:$0x1] =	wrdreg $0xFFFFFFFF  }
0x39: {  	_ =	task.clear_ibuf [dreg:s7], $0x2FFFF;
	_ =	strace $0x9FFFFFFF  }
0x3a: {  	(tm) =	ssettm $0x7FFFFFFF  }
0x3b: {  	_ =	shalt  }
tec
execute0_lowered:
.L_overlay_start_1:
0x0: {  	(tag) =	ssettag $0x1  }
0x1: {  	s0 =	srdreg.scid  }
0x2: {  	s1 =	sshll.u32 s0, $0x4  }
0x3: {  	s2 =	rddreg [dreg:$0x0];
	s0 =	stileid.u32;
	s1 =	sand.u32 $0x10, s1  }
0x4: {  	s4 =	rddreg [dreg:$0x1];
	s7 =	simm.s32 $0x1;
	s1 =	sor.u32 s0, s1  }
0x5: {  	s8 =	simm.s32 $0x2;
	s9 =	simm.s32 $0x0;
	s3 =	sshll.u32 s1, $0x1  }
0x6: {  	s12 =	simm.s32 $0x0;
	s11 =	simm.s32 $0x0;
	s6 =	ssub.s32 $0x400, s3  }
.Ltmp0:
0x7: {  	s4 =	sadd.s32 $0x1000, s4;
	s5 =	sand.u32 $0x3E, s6;
	(pc) =	sbr.rel .LBB1_1-.Ltmp0, $4  }
0x8: {  	s1 =	rddreg [dreg:$0x2];
	_ =	strace $0x80000047;
	p0 =	sne.s32 s5, $0x0  }
0x9: {  	s6 =	sshrl.u32 s6, $0x6;
	s5 =	simm.s32 $0x1;
	s7 =	simm.s32 @!p0 $0x0  }
0xa: {  	s10 =	smov.u32 s3;
	[sflag:s5] =	ssyncpa.u1 $0x0;
	s6 =	sadd.s32 s7, s6  }
0xb: {  	[sflag:s8] =	ssyncpa.u1 $0x0;
	s8 =	simm.s32 $0x0;
	s7 =	sadd.s32 $0x1, s6  }
.LBB1_9:
0xc: {  	s14 =	sadd.s32 $0x40, s10  }
0xd: {  	p1 =	sgt.s32 s14, $0x3FF  }
0xe: {  	s14 =	smov.u32 @p1 s3;
	p1 =	sne.s32 s11, s7  }
.Ltmp1:
0xf: {  	p0 =	slt.u32 s11, $0x2;
	(pc) =	sbr.rel @!p1 .LBB1_10-.Ltmp1, $4  }
0x10: {  	s13 =	simm.s32 @!p0 $0x2  }
0x11: {  	s15 =	sadd.s32 $0x1, s11;
	_ =	swait.ge @!p0 [sflag:s13], $0x4000  }
0x12: {  	s12 =	smov.u32 s10;
	s9 =	sadd.s32 $0x4000, s9;
	[sflag:s13] =	ssyncset.done @!p0 $0x0  }
0x13: {  	s11 =	smov.u32 s15;
	s10 =	smov.u32 s14;
	[sflag:s13] =	ssyncadd.s32 @!p0 $0xFFFFC000  }
.LBB1_1:
0x14: {  	p0 =	sge.u32 s11, s6  }
0x15: {  	s13 =	sxor.u32 @!p0 $0xFFFFFFFF, s11  }
0x16: {  	s31 =	sadd.s32 $0xFFFFFFFF, s11;
	s14 =	sshll.u32 @!p0 s10, $0xA;
	s13 =	sshll.u32 @!p0 s13, $0xE  }
0x17: {  	s15 =	simm.s32 @!p0 $0x0;
	s14 =	sadd.s32 @!p0 s2, s14;
	s13 =	sand.u32 @!p0 $0x4000, s13  }
0x18: {  	[tilespmem:s13], [sflag:$0x1] =	stream.linear.gather @!p0 [hbm4b:s14+s15], $0x4000, $0x38;
	[tilespmem:$0x10000] =	vst v63  }
0x19: {  	p0 =	sge.u32 s31, s6  }
.Ltmp2:
0x1a: {  	_ = 	snop;
	(pc) =	sbr.rel @p0 .LBB1_9-.Ltmp2, $1  }
0x1b: {  	_ =	sdelay $0x3  }
0x1c: {  	s13 =	sshll.u32 s9, $0x2  }
0x1d: {  	_ =	swait.ge [sflag:s5], $0x4000;
	s14 =	sshll.u32 s11, $0xE;
	s16 =	simm.s32 $0x0  }
0x1e: {  	p1 =	por $0x1, $0x1;
	s13 =	sand.u32 $0x10000, s13;
	[sflag:s5] =	ssyncset.done $0x0  }
0x1f: {  	s14 =	sand.u32 $0x4000, s14;
	s15 =	sshrl.u32 s13, $0x2;
	[sflag:s5] =	ssyncadd.s32 $0xFFFFC000  }
0x20: {  	s13 =	sor.u32 $0x8000, s14;
	s14 =	sadd.s32 $0x8040, s15;
	s15 =	sadd.s32 $0x40, s15  }
.LBB1_3:
0x21: {  	s16 =	sshll.u32 s16, $0x2  }
0x22: {  	p0 =	por p1, p1;
	s17 =	sshra.s32 s16, $0x2  }
0x23: {  	s18 =	simm.s32 $0x0;
	s16 =	sadd.s32 s17, s14;
	s17 =	sadd.s32 s17, s15  }
.LBB1_4:
0x24: {  	v0 =	vmov s17;
	_ =	sdelay $0x3  }
0x25: {  	s20 =	simm.s32 $0x0  }
0x26: {  	v6 =	vld.idx.msk [tilespmem:v0+s20+$0x30 ss:$0x1], $0xffff  }
0x27: {  	v7 =	vld.idx.msk [tilespmem:v0+s20+$0xFFFFFFC0 ss:$0x1], $0xffff  }
0x28: {  	v5 =	vld.idx.msk [tilespmem:v0+s20+$0xFFFFFFD0 ss:$0x1], $0xffff  }
0x29: {  	v4 =	vld.idx.msk [tilespmem:v0+s20+$0xFFFFFFE0 ss:$0x1], $0xffff  }
0x2a: {  	v3 =	vld.idx.msk [tilespmem:v0+s20+$0xFFFFFFF0 ss:$0x1], $0xffff  }
0x2b: {  	v1 =	vld.idx.msk [tilespmem:v0+s20+$0x0 ss:$0x1], $0xffff  }
0x2c: {  	v2 =	vld.idx.msk [tilespmem:v0+s20+$0x10 ss:$0x1], $0xffff;
	[tilespmem:s16+$0x30] =	vst v6  }
0x2d: {  	s19 =	simm.s32 $0x80;
	s21 =	simm.s32 $0x400;
	[tilespmem:s16+$0xFFFFFFC0] =	vst v7;
	v6 =	vld.idx.msk [tilespmem:v0+s20+$0x20 ss:$0x1], $0xffff;
	s20 =	smov.u32 s16  }
.LBB1_5:
0x2e: {  	p1 =	sne.s32 s21, $0xE00;
	v7 =	vld.idx.msk [tilespmem:v0+s19+$0x30 ss:$0x1], $0xffff;
	[tilespmem:s20+$0xFFFFFFD0] =	vst v5  }
0x2f: {  	v8 =	vld.idx.msk [tilespmem:v0+s19+$0xFFFFFFC0 ss:$0x1], $0xffff;
	[tilespmem:s20+$0xFFFFFFE0] =	vst v4  }
0x30: {  	v5 =	vld.idx.msk [tilespmem:v0+s19+$0xFFFFFFD0 ss:$0x1], $0xffff;
	[tilespmem:s20+$0xFFFFFFF0] =	vst v3  }
.Ltmp3:
0x31: {  	v4 =	vld.idx.msk [tilespmem:v0+s19+$0xFFFFFFE0 ss:$0x1], $0xffff;
	[tilespmem:s20+$0x0] =	vst v1;
	(pc) =	sbr.rel @p1 .LBB1_5-.Ltmp3, $4  }
0x32: {  	v3 =	vld.idx.msk [tilespmem:v0+s19+$0xFFFFFFF0 ss:$0x1], $0xffff;
	[tilespmem:s20+$0x10] =	vst v2  }
0x33: {  	v1 =	vld.idx.msk [tilespmem:v0+s19+$0x0 ss:$0x1], $0xffff;
	[tilespmem:s20+$0x20] =	vst v6;
	s20 =	sadd.s32 $0x400, s20  }
0x34: {  	v2 =	vld.idx.msk [tilespmem:v0+s19+$0x10 ss:$0x1], $0xffff;
	[tilespmem:s20+$0x30] =	vst v7  }
0x35: {  	[tilespmem:s20+$0xFFFFFFC0] =	vst v8;
	v6 =	vld.idx.msk [tilespmem:v0+s19+$0x20 ss:$0x1], $0xffff;
	s19 =	sshra.s32 s21, $0x2;
	s21 =	sadd.s32 $0x200, s21  }
0x36: {  	_ =	sdelay $0x2  }
0x37: {  	[tilespmem:s20+$0xFFFFFFD0] =	vst v5  }
0x38: {  	v56 =	vld.idx.msk [tilespmem:v0+s19+$0x30 ss:$0x1], $0xffff;
	[tilespmem:s20+$0xFFFFFFE0] =	vst v4  }
0x39: {  	v57 =	vld.idx.msk [tilespmem:v0+s19+$0xFFFFFFC0 ss:$0x1], $0xffff;
	[tilespmem:s20+$0xFFFFFFF0] =	vst v3  }
0x3a: {  	v58 =	vld.idx.msk [tilespmem:v0+s19+$0xFFFFFFD0 ss:$0x1], $0xffff;
	[tilespmem:s20+$0x0] =	vst v1  }
0x3b: {  	v59 =	vld.idx.msk [tilespmem:v0+s19+$0xFFFFFFE0 ss:$0x1], $0xffff;
	[tilespmem:s20+$0x10] =	vst v2  }
0x3c: {  	v60 =	vld.idx.msk [tilespmem:v0+s19+$0xFFFFFFF0 ss:$0x1], $0xffff;
	s31 =	sadd.s32 $0x400, s20;
	[tilespmem:s20+$0x20] =	vst v6  }
0x3d: {  	v61 =	vld.idx.msk [tilespmem:v0+s19+$0x0 ss:$0x1], $0xffff;
	[tilespmem:s31+$0x30] =	vst v56  }
0x3e: {  	v62 =	vld.idx.msk [tilespmem:v0+s19+$0x10 ss:$0x1], $0xffff;
	s18 =	sadd.s32 $0x1, s18;
	[tilespmem:s31+$0xFFFFFFC0] =	vst v57  }
0x3f: {  	v63 =	vld.idx.msk [tilespmem:v0+s19+$0x20 ss:$0x1], $0xffff;
	p1 =	sne.s32 s18, $0x8;
	[tilespmem:s31+$0xFFFFFFD0] =	vst v58  }
.Ltmp4:
0x40: {  	[tilespmem:s31+$0xFFFFFFE0] =	vst v59;
	(pc) =	sbr.rel @p1 .LBB1_4-.Ltmp4, $4  }
0x41: {  	[tilespmem:s31+$0xFFFFFFF0] =	vst v60  }
0x42: {  	[tilespmem:s31+$0x0] =	vst v61  }
0x43: {  	[tilespmem:s31+$0x10] =	vst v62  }
0x44: {  	s16 =	sadd.s32 $0x80, s16;
	s17 =	sadd.s32 $0x400, s17;
	[tilespmem:s31+$0x20] =	vst v63  }
.Ltmp5:
0x45: {  	(pc) =	sbr.rel @p0 .LBB1_3-.Ltmp5, $2  }
0x46: {  	_ =	sdelay $0x2  }
0x47: {  	s16 =	simm.s32 $0x2000;
	p1 =	por $0x0, $0x0  }
.Ltmp6:
0x48: {  	(pc) =	sbr.rel .LBB1_9-.Ltmp6, $4  }
0x49: {  	_ = 	snop  }
0x4a: {  	s12 =	sshll.u32 s12, $0xA  }
0x4b: {  	s12 =	sadd.s32 s4, s12  }
0x4c: {  	[hbm4b:s12+s8] =	stream.linear.scatter [tilespmem:s13], [sflag:$0x2], $0x4000, $0x38;
	[tilespmem:$0x10000] =	vst v63  }
.LBB1_10:
0x4d: {  	_ =	sfence.sel $0x180000  }
0x4e: {  	s2 =	simm.s32 $0x1;
	[bflag:$0x0] =	sbarrier.arrive $0xFFFF  }
0x4f: {  	s31 =	simm.s32 $0x2;
	[sflag:s2] =	ssyncpa.u1 $0x1  }
0x50: {  	[sflag:s31] =	ssyncpa.u1 $0x1  }
0x51: {  	p0 =	sne.s32 s0, $0x0;
	_ =	strace $0x90000047  }
0x52: {  	s0 =	sadd.s32 @!p0 $0x100000, s1;
	[bflag:$0x2] =	sbarrier.arrive $0xFFFF  }
0x53: {  	[sflag:s0] =	ssyncadd.tile.s32 @!p0 $0x1;
	_ =	shalt  }
.Lfunc_end1:
_tile_overlayer_lowered:
.L_overlay_start_2:
0x54: {  	(tag) =	ssettag $0x2  }
0x55: {  	s0 =	rddreg [dreg:$0x0];
	s2 =	stileid.u32  }
0x56: {  	s1 =	rddreg [dreg:$0x1];
	p0 =	sne.s32 s2, $0x0  }
0x57: {  	s3 =	rddreg [dreg:$0x2];
	[bflag:$0x3] =	sbarrier.arrive $0xFFFF;
	s2 =	simm.s32 @!p0 $0x1C01  }
0x58: {  	[timem:s3], [sflag:s2] =	dma.local @!p0 [hbm:s0], s1  }
0x59: {  	s0 =	simm.s32 @!p0 $0x1  }
0x5a: {  	_ =	swait.ge @!p0 [sflag:s0], s1  }
0x5b: {  	s1 =	ssub.s32 @!p0 $0x0, s1;
	[sflag:s0] =	ssyncset.done @!p0 $0x0  }
0x5c: {  	[sflag:s0] =	ssyncadd.s32 @!p0 s1  }
0x5d: {  	[bflag:$0x3] =	sbarrier.arrive $0xFFFF  }
0x5e: {  	_ =	shalt  }

// kernel: sparse-core-data-format-call.cloned.1.call-start
scs
called_computation_lowered:
.L_overlay_start_0:
0x0: {  	s2 =	sld [smem:$0x3FD9]  }
0x1: {  	s3 =	sld [smem:$0x3FFE];
	_ =	sdelay $0x1  }
0x2: {  	s1 =	srdreg.scid  }
0x3: {  	s0 =	sand.u32 $0x1, s1  }
0x4: {  	s18 =	sshll.u32 s0, $0xA;
	s2 =	sadd.s32 s3, s2  }
0x5: {  	s2 =	sadd.s32 s2, s18  }
0x6: {  	[smem:$0x3FC4] =	sst s2  }
0x7: {  	_ = 	snop  }
0x8: {  	s19 =	sld [smem:$0x3FC6];
	(tm) =	ssettm $0x1  }
0x9: {  	s20 =	sld [smem:$0x3FFB];
	_ =	sdelay $0x3  }
0xa: {  	_ =	strace s20  }
0xb: {  	s2 =	sld [smem:$0x3FFC];
	_ =	sdelay $0x3  }
0xc: {  	_ =	strace s2  }
0xd: {  	s2 =	sld [smem:$0x3FFD];
	_ =	sdelay $0x3  }
0xe: {  	_ =	strace s2  }
0xf: {  	_ =	strace $0x8FFFFFFF  }
0x10: {  	s21 =	sld [smem:$0x3FDB];
	_ =	sdelay $0x1  }
0x11: {  	s4 =	simm.s32 $_scs_section_size  }
0x12: {  	s5 =	simm.s32 $_size__tile_overlayer_lowered;
	s6 =	simm.s32 $_tile_overlayer_lowered  }
0x13: {  	s7 =	simm.s32 $0x1BFF;
	s22 =	sshll.u32 s6, $0x1;
	s4 =	sadd.s32 s4, s21  }
0x14: {  	s23 =	simm.s32 $0x0;
	s5 =	sshll.u32 s5, $0x1;
	s6 =	sadd.s32 s22, s4  }
0x15: {  	[timem:s23], [sflag:s7] =	dma.local [hbm:s6], s5  }
0x16: {  	_ =	swait.ge [sflag:s7], s5  }
0x17: {  	s5 =	ssub.s32 $0x0, s5;
	[sflag:s7] =	ssyncset.done $0x0  }
0x18: {  	[sflag:s7] =	ssyncadd.s32 s5;
	_ =	sdelay $0x1  }
0x19: {  	s24 =	simm.s32 $0x1B8B  }
0x1a: {  	_ =	swait.ge [sflag:s24], $0x1  }
0x1b: {  	[sflag:s24] =	ssyncset.done $0x0  }
0x1c: {  	[sflag:s24] =	ssyncadd.s32 $0xFFFFFFFF  }
0x1d: {  	s5 =	sld [smem:$0x0]  }
0x1e: {  	s6 =	sand.u32 $0xFFFFFFFE, s1  }
0x1f: {  	p0 =	sne.s32 s1, s6  }
0x20: {  	s6 =	sshll.u32 @p0 s6, $0xE  }
0x21: {  	s6 =	sadd.s32 @p0 $0x11B8D, s6;
	s7 =	sshll.u32 @p0 s5, $0x11  }
0x22: {  	s6 =	sor.u32 @p0 s7, s6  }
0x23: {  	[sflag:s6] =	ssyncadd.remote.s32 @p0 $0x1;
	_ =	sdelay $0x1  }
0x24: {  	s6 =	simm.s32 @p0 $0x1B8D  }
0x25: {  	_ =	swait.eq @p0 [sflag:s6], $0x1  }
0x26: {  	[sflag:s6] =	ssyncadd.s32 @p0 $0xFFFFFFFF  }
0x27: {  	s7 =	sshll.u32 @!p0 s1, $0xE  }
0x28: {  	s7 =	sor.u32 @!p0 $0x4000, s7;
	s6 =	simm.s32 @!p0 $0x1B8D  }
0x29: {  	s5 =	sshll.u32 @!p0 s5, $0x11;
	s7 =	sadd.s32 @!p0 $0x11B8D, s7;
	_ =	swait.eq @!p0 [sflag:s6], $0x1  }
0x2a: {  	s5 =	sor.u32 @!p0 s5, s7;
	[sflag:s6] =	ssyncadd.s32 @!p0 $0xFFFFFFFF  }
0x2b: {  	s26 =	simm.s32 $0x1B8E;
	s25 =	sld [smem:$0x3FFE];
	[sflag:s5] =	ssyncadd.remote.s32 @!p0 $0x1  }
0x2c: {  	s27 =	simm.s32 $execute0_lowered;
	[smem:$0x3FD2] =	sst s26  }
0x2d: {  	s6 =	sshll.u32 s27, $0x1;
	_ =	strace $0x8000004F;
	[dreg:$0x1] =	wrdreg $0xFFFFFFFF  }
0x2e: {  	s28 =	simm.s32 $_size_execute0_lowered;
	s4 =	sadd.s32 s4, s6;
	[dreg:$0x0] =	wrdreg $0x0  }
0x2f: {  	s6 =	sshll.u32 s28, $0x1;
	[dreg:$0x2] =	wrdreg s4  }
0x30: {  	[dreg:$0x3] =	wrdreg s6  }
0x31: {  	[dreg:$0x4] =	wrdreg $0xC0  }
0x32: {  	_ =	task [dreg:s23], $0x5FFFF  }
0x33: {  	[dreg:$0x1] =	wrdreg $0xFFFFFFFF  }
0x34: {  	[dreg:$0x0] =	wrdreg $0x60  }
0x35: {  	[dreg:$0x2] =	wrdreg s19  }
0x36: {  	[dreg:$0x3] =	wrdreg s25  }
0x37: {  	[dreg:$0x4] =	wrdreg $0x9  }
0x38: {  	_ =	task.clear_ibuf [dreg:s23], $0x5FFFF;
	_ =	strace $0x9000004F  }
0x39: {  	s29 =	simm.s32 $0x9;
	_ =	strace $0x80000051  }
0x3a: {  	_ =	swait.ge [sflag:s29], $0x1  }
0x3b: {  	[sflag:s29] =	ssyncadd.s32 $0xFFFFFFFF  }
0x3c: {  	_ =	strace $0x90000051  }
0x3d: {  	_ =	sfence  }
0x3e: {  	s30 =	sld [smem:$0x0];
	_ =	sdelay $0x2  }
0x3f: {  	s31 =	sshll.u32 s1, $0xD;
	s1 =	sshrl.u32 s1, $0x2  }
0x40: {  	s4 =	sand.u32 $0x4000, s31;
	s1 =	sadd.s32 s1, s30  }
0x41: {  	s0 =	sor.u32 s4, s0;
	s1 =	sshll.u32 s1, $0x11  }
0x42: {  	s0 =	sor.u32 s1, s0  }
0x43: {  	s0 =	sadd.s32 $0x8F2B, s0  }
0x44: {  	[sflag:s0] =	ssyncadd.remote.s32 $0x1  }
0x45: {  	_ =	sfence.sel $0xFFFF  }
0x46: {  	[dreg:$0x0] =	wrdreg $0xFFFFFFFF;
	(pc) =	sbr.abs _section_cstart, $3  }
0x47: {  	[dreg:$0x1] =	wrdreg $0xFFFFFFFF  }
0x48: {  	_ =	task.clear_ibuf [dreg:s23], $0x2FFFF;
	_ =	strace $0x9FFFFFFF  }
0x49: {  	(tm) =	ssettm $0x7FFFFFFF  }
tec
execute0_lowered:
.L_overlay_start_1:
0x0: {  	(tag) =	ssettag $0x1  }
0x1: {  	s0 =	srdreg.scid  }
0x2: {  	s1 =	sshll.u32 s0, $0x4  }
0x3: {  	s2 =	rddreg [dreg:$0x0];
	s0 =	stileid.u32;
	s1 =	sand.u32 $0x10, s1  }
0x4: {  	s4 =	rddreg [dreg:$0x1];
	s7 =	simm.s32 $0x1;
	s1 =	sor.u32 s0, s1  }
0x5: {  	s8 =	simm.s32 $0x2;
	s9 =	simm.s32 $0x0;
	s3 =	sshll.u32 s1, $0x1  }
0x6: {  	s12 =	simm.s32 $0x0;
	s11 =	simm.s32 $0x0;
	s6 =	ssub.s32 $0x400, s3  }
.Ltmp0:
0x7: {  	s4 =	sadd.s32 $0x301000, s4;
	s5 =	sand.u32 $0x3E, s6;
	(pc) =	sbr.rel .LBB1_1-.Ltmp0, $4  }
0x8: {  	s1 =	rddreg [dreg:$0x2];
	_ =	strace $0x80000050;
	p0 =	sne.s32 s5, $0x0  }
0x9: {  	s6 =	sshrl.u32 s6, $0x6;
	s5 =	simm.s32 $0x1;
	s7 =	simm.s32 @!p0 $0x0  }
0xa: {  	s10 =	smov.u32 s3;
	[sflag:s5] =	ssyncpa.u1 $0x0;
	s6 =	sadd.s32 s7, s6  }
0xb: {  	[sflag:s8] =	ssyncpa.u1 $0x0;
	s8 =	simm.s32 $0x0;
	s7 =	sadd.s32 $0x1, s6  }
.LBB1_9:
0xc: {  	s14 =	sadd.s32 $0x40, s10  }
0xd: {  	p1 =	sgt.s32 s14, $0x3FF  }
0xe: {  	s14 =	smov.u32 @p1 s3;
	p1 =	sne.s32 s11, s7  }
.Ltmp1:
0xf: {  	p0 =	slt.u32 s11, $0x2;
	(pc) =	sbr.rel @!p1 .LBB1_10-.Ltmp1, $4  }
0x10: {  	s13 =	simm.s32 @!p0 $0x2  }
0x11: {  	s15 =	sadd.s32 $0x1, s11;
	_ =	swait.ge @!p0 [sflag:s13], $0x4000  }
0x12: {  	s12 =	smov.u32 s10;
	s9 =	sadd.s32 $0x4000, s9;
	[sflag:s13] =	ssyncset.done @!p0 $0x0  }
0x13: {  	s11 =	smov.u32 s15;
	s10 =	smov.u32 s14;
	[sflag:s13] =	ssyncadd.s32 @!p0 $0xFFFFC000  }
.LBB1_1:
0x14: {  	p0 =	sge.u32 s11, s6  }
0x15: {  	s13 =	sxor.u32 @!p0 $0xFFFFFFFF, s11  }
0x16: {  	s31 =	sadd.s32 $0xFFFFFFFF, s11;
	s14 =	sshll.u32 @!p0 s10, $0xA;
	s13 =	sshll.u32 @!p0 s13, $0xE  }
0x17: {  	s15 =	simm.s32 @!p0 $0x0;
	s14 =	sadd.s32 @!p0 s2, s14;
	s13 =	sand.u32 @!p0 $0x4000, s13  }
0x18: {  	[tilespmem:s13], [sflag:$0x1] =	stream.linear.gather @!p0 [hbm4b:s14+s15], $0x4000, $0x38;
	[tilespmem:$0x10000] =	vst v63  }
0x19: {  	p0 =	sge.u32 s31, s6  }
.Ltmp2:
0x1a: {  	_ = 	snop;
	(pc) =	sbr.rel @p0 .LBB1_9-.Ltmp2, $1  }
0x1b: {  	_ =	sdelay $0x3  }
0x1c: {  	s13 =	sshll.u32 s9, $0x2  }
0x1d: {  	_ =	swait.ge [sflag:s5], $0x4000;
	s14 =	sshll.u32 s11, $0xE;
	s16 =	simm.s32 $0x0  }
0x1e: {  	p1 =	por $0x1, $0x1;
	s13 =	sand.u32 $0x10000, s13;
	[sflag:s5] =	ssyncset.done $0x0  }
0x1f: {  	s14 =	sand.u32 $0x4000, s14;
	s15 =	sshrl.u32 s13, $0x2;
	[sflag:s5] =	ssyncadd.s32 $0xFFFFC000  }
0x20: {  	s13 =	sor.u32 $0x8000, s14;
	s14 =	sadd.s32 $0x8040, s15;
	s15 =	sadd.s32 $0x40, s15  }
.LBB1_3:
0x21: {  	s16 =	sshll.u32 s16, $0x2  }
0x22: {  	p0 =	por p1, p1;
	s17 =	sshra.s32 s16, $0x2  }
0x23: {  	s18 =	simm.s32 $0x0;
	s16 =	sadd.s32 s17, s14;
	s17 =	sadd.s32 s17, s15  }
.LBB1_4:
0x24: {  	v0 =	vmov s17;
	_ =	sdelay $0x3  }
0x25: {  	s20 =	simm.s32 $0x0  }
0x26: {  	v6 =	vld.idx.msk [tilespmem:v0+s20+$0x30 ss:$0x1], $0xffff  }
0x27: {  	v7 =	vld.idx.msk [tilespmem:v0+s20+$0xFFFFFFC0 ss:$0x1], $0xffff  }
0x28: {  	v5 =	vld.idx.msk [tilespmem:v0+s20+$0xFFFFFFD0 ss:$0x1], $0xffff  }
0x29: {  	v4 =	vld.idx.msk [tilespmem:v0+s20+$0xFFFFFFE0 ss:$0x1], $0xffff  }
0x2a: {  	v3 =	vld.idx.msk [tilespmem:v0+s20+$0xFFFFFFF0 ss:$0x1], $0xffff  }
0x2b: {  	v1 =	vld.idx.msk [tilespmem:v0+s20+$0x0 ss:$0x1], $0xffff  }
0x2c: {  	v2 =	vld.idx.msk [tilespmem:v0+s20+$0x10 ss:$0x1], $0xffff;
	[tilespmem:s16+$0x30] =	vst v6  }
0x2d: {  	s19 =	simm.s32 $0x80;
	s21 =	simm.s32 $0x400;
	[tilespmem:s16+$0xFFFFFFC0] =	vst v7;
	v6 =	vld.idx.msk [tilespmem:v0+s20+$0x20 ss:$0x1], $0xffff;
	s20 =	smov.u32 s16  }
.LBB1_5:
0x2e: {  	p1 =	sne.s32 s21, $0xE00;
	v7 =	vld.idx.msk [tilespmem:v0+s19+$0x30 ss:$0x1], $0xffff;
	[tilespmem:s20+$0xFFFFFFD0] =	vst v5  }
0x2f: {  	v8 =	vld.idx.msk [tilespmem:v0+s19+$0xFFFFFFC0 ss:$0x1], $0xffff;
	[tilespmem:s20+$0xFFFFFFE0] =	vst v4  }
0x30: {  	v5 =	vld.idx.msk [tilespmem:v0+s19+$0xFFFFFFD0 ss:$0x1], $0xffff;
	[tilespmem:s20+$0xFFFFFFF0] =	vst v3  }
.Ltmp3:
0x31: {  	v4 =	vld.idx.msk [tilespmem:v0+s19+$0xFFFFFFE0 ss:$0x1], $0xffff;
	[tilespmem:s20+$0x0] =	vst v1;
	(pc) =	sbr.rel @p1 .LBB1_5-.Ltmp3, $4  }
0x32: {  	v3 =	vld.idx.msk [tilespmem:v0+s19+$0xFFFFFFF0 ss:$0x1], $0xffff;
	[tilespmem:s20+$0x10] =	vst v2  }
0x33: {  	v1 =	vld.idx.msk [tilespmem:v0+s19+$0x0 ss:$0x1], $0xffff;
	[tilespmem:s20+$0x20] =	vst v6;
	s20 =	sadd.s32 $0x400, s20  }
0x34: {  	v2 =	vld.idx.msk [tilespmem:v0+s19+$0x10 ss:$0x1], $0xffff;
	[tilespmem:s20+$0x30] =	vst v7  }
0x35: {  	[tilespmem:s20+$0xFFFFFFC0] =	vst v8;
	v6 =	vld.idx.msk [tilespmem:v0+s19+$0x20 ss:$0x1], $0xffff;
	s19 =	sshra.s32 s21, $0x2;
	s21 =	sadd.s32 $0x200, s21  }
0x36: {  	_ =	sdelay $0x2  }
0x37: {  	[tilespmem:s20+$0xFFFFFFD0] =	vst v5  }
0x38: {  	v56 =	vld.idx.msk [tilespmem:v0+s19+$0x30 ss:$0x1], $0xffff;
	[tilespmem:s20+$0xFFFFFFE0] =	vst v4  }
0x39: {  	v57 =	vld.idx.msk [tilespmem:v0+s19+$0xFFFFFFC0 ss:$0x1], $0xffff;
	[tilespmem:s20+$0xFFFFFFF0] =	vst v3  }
0x3a: {  	v58 =	vld.idx.msk [tilespmem:v0+s19+$0xFFFFFFD0 ss:$0x1], $0xffff;
	[tilespmem:s20+$0x0] =	vst v1  }
0x3b: {  	v59 =	vld.idx.msk [tilespmem:v0+s19+$0xFFFFFFE0 ss:$0x1], $0xffff;
	[tilespmem:s20+$0x10] =	vst v2  }
0x3c: {  	v60 =	vld.idx.msk [tilespmem:v0+s19+$0xFFFFFFF0 ss:$0x1], $0xffff;
	s31 =	sadd.s32 $0x400, s20;
	[tilespmem:s20+$0x20] =	vst v6  }
0x3d: {  	v61 =	vld.idx.msk [tilespmem:v0+s19+$0x0 ss:$0x1], $0xffff;
	[tilespmem:s31+$0x30] =	vst v56  }
0x3e: {  	v62 =	vld.idx.msk [tilespmem:v0+s19+$0x10 ss:$0x1], $0xffff;
	s18 =	sadd.s32 $0x1, s18;
	[tilespmem:s31+$0xFFFFFFC0] =	vst v57  }
0x3f: {  	v63 =	vld.idx.msk [tilespmem:v0+s19+$0x20 ss:$0x1], $0xffff;
	p1 =	sne.s32 s18, $0x8;
	[tilespmem:s31+$0xFFFFFFD0] =	vst v58  }
.Ltmp4:
0x40: {  	[tilespmem:s31+$0xFFFFFFE0] =	vst v59;
	(pc) =	sbr.rel @p1 .LBB1_4-.Ltmp4, $4  }
0x41: {  	[tilespmem:s31+$0xFFFFFFF0] =	vst v60  }
0x42: {  	[tilespmem:s31+$0x0] =	vst v61  }
0x43: {  	[tilespmem:s31+$0x10] =	vst v62  }
0x44: {  	s16 =	sadd.s32 $0x80, s16;
	s17 =	sadd.s32 $0x400, s17;
	[tilespmem:s31+$0x20] =	vst v63  }
.Ltmp5:
0x45: {  	(pc) =	sbr.rel @p0 .LBB1_3-.Ltmp5, $2  }
0x46: {  	_ =	sdelay $0x2  }
0x47: {  	s16 =	simm.s32 $0x2000;
	p1 =	por $0x0, $0x0  }
.Ltmp6:
0x48: {  	(pc) =	sbr.rel .LBB1_9-.Ltmp6, $4  }
0x49: {  	_ = 	snop  }
0x4a: {  	s12 =	sshll.u32 s12, $0xA  }
0x4b: {  	s12 =	sadd.s32 s4, s12  }
0x4c: {  	[hbm4b:s12+s8] =	stream.linear.scatter [tilespmem:s13], [sflag:$0x2], $0x4000, $0x38;
	[tilespmem:$0x10000] =	vst v63  }
.LBB1_10:
0x4d: {  	_ =	sfence.sel $0x180000  }
0x4e: {  	s2 =	simm.s32 $0x1;
	[bflag:$0x0] =	sbarrier.arrive $0xFFFF  }
0x4f: {  	s31 =	simm.s32 $0x2;
	[sflag:s2] =	ssyncpa.u1 $0x1  }
0x50: {  	[sflag:s31] =	ssyncpa.u1 $0x1  }
0x51: {  	p0 =	sne.s32 s0, $0x0;
	_ =	strace $0x90000050  }
0x52: {  	s0 =	sadd.s32 @!p0 $0x100000, s1;
	[bflag:$0x2] =	sbarrier.arrive $0xFFFF  }
0x53: {  	[sflag:s0] =	ssyncadd.tile.s32 @!p0 $0x1;
	_ =	shalt  }
.Lfunc_end1:
_tile_overlayer_lowered:
.L_overlay_start_2:
0x54: {  	(tag) =	ssettag $0x2  }
0x55: {  	s0 =	rddreg [dreg:$0x0];
	s2 =	stileid.u32  }
0x56: {  	s1 =	rddreg [dreg:$0x1];
	p0 =	sne.s32 s2, $0x0  }
0x57: {  	s3 =	rddreg [dreg:$0x2];
	[bflag:$0x3] =	sbarrier.arrive $0xFFFF;
	s2 =	simm.s32 @!p0 $0x1C01  }
0x58: {  	[timem:s3], [sflag:s2] =	dma.local @!p0 [hbm:s0], s1  }
0x59: {  	s0 =	simm.s32 @!p0 $0x1  }
0x5a: {  	_ =	swait.ge @!p0 [sflag:s0], s1  }
0x5b: {  	s1 =	ssub.s32 @!p0 $0x0, s1;
	[sflag:s0] =	ssyncset.done @!p0 $0x0  }
0x5c: {  	[sflag:s0] =	ssyncadd.s32 @!p0 s1  }
0x5d: {  	[bflag:$0x3] =	sbarrier.arrive $0xFFFF  }
0x5e: {  	_ =	shalt  }

</sc_bundles>
